<compile_context>
chip_gen: v7x
topology: tpu7x:2x2x1
jax: 0.10.2.dev20260603
libtpu: 0.0.44.dev20260713+nightly
codegen_flags: <defaults>
</compile_context>

<pallas_src>
import functools

import jax
import jax.numpy as jnp
from jax import lax
from jax.experimental import pallas as pl
from jax.experimental.pallas import tpu as pltpu
from jax.experimental.pallas import tpu_sc as plsc

_NC = 2
_NS = 16
_NW = _NC * _NS

_C = 125

_ZC = 128


def _make_deg_kernel(n_pad, n_edges):
    ept = n_edges // _NW
    nchunk = ept // _C
    rows_pt = n_pad // _NS

    mesh = plsc.VectorSubcoreMesh(
        core_axis_name="c", subcore_axis_name="s",
        num_cores=_NC, num_subcores=_NS)

    @functools.partial(
        pl.kernel,
        mesh=mesh,
        out_type=jax.ShapeDtypeStruct((_NC * n_pad,), jnp.float32),
        scratch_types=[
            pltpu.VMEM((nchunk, _C), jnp.int32),
            pltpu.VMEM((_C,), jnp.float32),
            pltpu.VMEM((rows_pt,), jnp.float32),
            pltpu.VMEM_SHARED((n_pad,), jnp.float32),
        ],
    )
    def deg_kernel(dst3, ones_h, degp, dst_v, ones_v, z_v, deg_sh):
        c = lax.axis_index("c")
        s = lax.axis_index("s")
        wid = c * _NS + s
        base = s * rows_pt

        pltpu.sync_copy(dst3.at[wid], dst_v)
        pltpu.sync_copy(ones_h, ones_v)
        for i in range(rows_pt // 16):
            z_v[pl.ds(i * 16, 16)] = jnp.zeros((16,), jnp.float32)
        pltpu.sync_copy(z_v, deg_sh.at[pl.ds(base, rows_pt)])
        plsc.subcore_barrier()

        def chunk(j, carry):
            pltpu.sync_copy(ones_v, deg_sh.at[dst_v.at[j]], add=True)
            return carry

        lax.fori_loop(0, nchunk, chunk, 0)
        plsc.subcore_barrier()

        pltpu.sync_copy(
            deg_sh.at[pl.ds(base, rows_pt)],
            degp.at[pl.ds(c * n_pad + base, rows_pt)])

    return deg_kernel


def _make_msg_kernel(n_pad, n_edges, d_out):
    ept = n_edges // _NW
    nchunk = ept // _C
    rows_pt = n_pad // _NS
    zchunks = rows_pt // _ZC

    mesh = plsc.VectorSubcoreMesh(
        core_axis_name="c", subcore_axis_name="s",
        num_cores=_NC, num_subcores=_NS)

    @functools.partial(
        pl.kernel,
        mesh=mesh,
        out_type=jax.ShapeDtypeStruct((_NC * n_pad, d_out), jnp.float32),
        scratch_types=[
            pltpu.VMEM((nchunk, _C), jnp.int32),
            pltpu.VMEM((nchunk, _C), jnp.int32),
            pltpu.VMEM((_C, d_out), jnp.float32),
            pltpu.VMEM_SHARED((n_pad, d_out), jnp.float32),
            pltpu.SemaphoreType.DMA,
        ],
    )
    def msg_kernel(y_h, src3, dst3, zrows, accp,
                   src_v, dst_v, rows_v, acc_sh, sem):
        c = lax.axis_index("c")
        s = lax.axis_index("s")
        wid = c * _NS + s
        base = s * rows_pt

        pltpu.sync_copy(src3.at[wid], src_v)
        pltpu.sync_copy(dst3.at[wid], dst_v)
        for i in range(zchunks):
            pltpu.sync_copy(zrows, acc_sh.at[pl.ds(base + i * _ZC, _ZC)])
        plsc.subcore_barrier()

        def chunk(j, carry):
            pltpu.async_copy(y_h.at[src_v.at[j]], rows_v, sem).wait()
            pltpu.sync_copy(rows_v, acc_sh.at[dst_v.at[j]], add=True)
            return carry

        lax.fori_loop(0, nchunk, chunk, 0)
        plsc.subcore_barrier()

        pltpu.sync_copy(
            acc_sh.at[pl.ds(base, rows_pt)],
            accp.at[pl.ds(c * n_pad + base, rows_pt)])

    return msg_kernel


def _mm_body(x_ref, w_ref, dp_ref, y_ref):
    xw = jnp.dot(x_ref[...], w_ref[...], preferred_element_type=jnp.float32)
    d = dp_ref[...]
    deg = d[0] + d[1] + 1.0
    dinv = lax.rsqrt(deg)
    y_ref[...] = xw * dinv[:, None]


def _ep_body(a_ref, y_ref, dp_ref, b_ref, o_ref):
    a = a_ref[...]
    y = y_ref[...]
    d = dp_ref[...]
    deg = d[0] + d[1] + 1.0
    dinv = lax.rsqrt(deg)
    o_ref[...] = dinv[:, None] * (a[0] + a[1] + y) + b_ref[...]


def kernel(x, edge_index, W, b):
    n, d_in = x.shape
    d_out = W.shape[1]
    n_edges = edge_index.shape[1]
    n_pad = (n + 2047) // 2048 * 2048

    x_p = jnp.pad(x, ((0, n_pad - n), (0, 0)))
    src3 = edge_index[0].reshape(_NW, -1, _C)
    dst3 = edge_index[1].reshape(_NW, -1, _C)

    ones_h = jnp.ones((_C,), jnp.float32)
    zrows = jnp.zeros((_ZC, d_out), jnp.float32)

    degp = _make_deg_kernel(n_pad, n_edges)(dst3, ones_h)
    degp = degp.reshape(_NC, n_pad)

    blk = 1024
    grid = n_pad // blk
    y = pl.pallas_call(
        _mm_body,
        grid=(grid,),
        in_specs=[
            pl.BlockSpec((blk, d_in), lambda i: (i, 0)),
            pl.BlockSpec((d_in, d_out), lambda i: (0, 0)),
            pl.BlockSpec((_NC, blk), lambda i: (0, i)),
        ],
        out_specs=pl.BlockSpec((blk, d_out), lambda i: (i, 0)),
        out_shape=jax.ShapeDtypeStruct((n_pad, d_out), jnp.float32),
    )(x_p, W, degp)

    accp = _make_msg_kernel(n_pad, n_edges, d_out)(y, src3, dst3, zrows)
    accp = accp.reshape(_NC, n_pad, d_out)

    out = pl.pallas_call(
        _ep_body,
        grid=(grid,),
        in_specs=[
            pl.BlockSpec((_NC, blk, d_out), lambda i: (0, i, 0)),
            pl.BlockSpec((blk, d_out), lambda i: (i, 0)),
            pl.BlockSpec((_NC, blk), lambda i: (0, i)),
            pl.BlockSpec((1, d_out), lambda i: (0, 0)),
        ],
        out_specs=pl.BlockSpec((blk, d_out), lambda i: (i, 0)),
        out_shape=jax.ShapeDtypeStruct((n_pad, d_out), jnp.float32),
    )(accp, y, degp, b.reshape(1, d_out))
    return out[:n]

# --- scband reference (transcript-rebuilt; emitter-appended) ---
"""Pipeline reference for scband-conv-backbone-29953101923033 (READ-ONLY COPY).

The authoritative reference and input builder live on the scoring server;
editing this copy changes nothing except your own understanding.
"""

import jax, jax.numpy as jnp
import numpy as np

N_NODES = 10000
N_EDGES = 320000
D_IN = 128
D_OUT = 128


def setup_inputs(seed: int = 0) -> dict:
    key = jax.random.key(seed)
    k1, k2, k3 = jax.random.split(key, 3)
    x = jax.random.normal(k1, (N_NODES, D_IN), dtype=jnp.float32)
    edge_index = jax.random.randint(k2, (2, N_EDGES), 0, N_NODES, dtype=jnp.int32)
    W = jax.random.normal(k3, (D_IN, D_OUT), dtype=jnp.float32) * 0.05
    b = jnp.zeros((D_OUT,), dtype=jnp.float32)
    return {"x": x, "edge_index": edge_index, "W": W, "b": b}


def reference(x, edge_index, W, b):
    # GCNConv(in_channels, hidden_dim) forward: symmetric-normalized message passing
    # with self-loops: out = D^{-1/2} (A + I) D^{-1/2} X W + b
    N = x.shape[0]
    loop = jnp.arange(N, dtype=edge_index.dtype)
    src = jnp.concatenate([edge_index[0], loop])
    dst = jnp.concatenate([edge_index[1], loop])
    # linear transform first (standard GCNConv order)
    xw = x @ W
    # degree computed on dst with unit edge weights (incl. self-loops)
    deg = jnp.zeros((N,), dtype=xw.dtype).at[dst].add(1.0)
    deg_inv_sqrt = jnp.where(deg > 0, jax.lax.rsqrt(deg), 0.0)
    norm = deg_inv_sqrt[src] * deg_inv_sqrt[dst]
    # gather messages from source nodes, scale, scatter-add into dst
    msg = xw[src] * norm[:, None]
    out = jnp.zeros((N, xw.shape[1]), dtype=xw.dtype).at[dst].add(msg)
    return out + b

if __name__ == "__main__":
    import jax
    _d = setup_inputs()
    print(jax.jit(kernel)(*tuple(_d.values())))

</pallas_src>

<mosaic_0001>
#map = affine_map<(d0, d1) -> (0, 0, 0)>
#map1 = affine_map<(d0, d1) -> (0)>
module attributes {stable_mosaic.version = 14 : i64} {
  func.func @deg_kernel(%arg0: i32, %arg1: i32, %arg2: memref<32x80x125xi32, #tpu.memory_space<hbm>>, %arg3: memref<125xf32, #tpu.memory_space<hbm>>, %arg4: memref<20480xf32, #tpu.memory_space<hbm>>, %arg5: memref<80x125xi32, #tpu.memory_space<vmem>>, %arg6: memref<125xf32, #tpu.memory_space<vmem>>, %arg7: memref<640xf32, #tpu.memory_space<vmem>>, %arg8: memref<10240xf32, #tpu.memory_space<vmem_shared>>) attributes {dimension_semantics = [#tpu.dimension_semantics<core_parallel>, #tpu.dimension_semantics<subcore_parallel>], iteration_bounds = array<i64: 2, 16>, scalar_prefetch = 0 : i64, scratch_operands = 4 : i64, tpu.core_type = #tpu.core_type<sc_vector_subcore>, window_params = [{transform_indices = #map}, {transform_indices = #map1}, {transform_indices = #map1}]} {
    %mul3A = arith.constant 16 : i32
    %mul3A_0 = arith.muli %arg0, %mul3A : i32
    %add3A = arith.addi %mul3A_0, %arg1 : i32
    %mul3A_1 = arith.constant 640 : i32
    %mul3A_2 = arith.muli %arg1, %mul3A_1 : i32
    "tpu.region"() ({
      %run_scoped3A = tpu.sem_alloc : memref<!tpu.dma_semaphore, #tpu.memory_space<semaphore_mem>>
      %dma_start3A = arith.constant 0 : i32
      %dma_start3A_250 = arith.constant 0 : i32
      %dma_start3A_251 = tpu.memref_slice %arg2[%add3A, %dma_start3A, %dma_start3A_250] : memref<32x80x125xi32, #tpu.memory_space<hbm>> -> memref<1x80x125xi32, #tpu.memory_space<hbm>>
      %dma_start3A_252 = tpu.memref_squeeze %dma_start3A_251 : memref<1x80x125xi32, #tpu.memory_space<hbm>> -> memref<80x125xi32, #tpu.memory_space<hbm>>
      %dma_start3A_253 = arith.constant 0 : i32
      %dma_start3A_254 = arith.constant 0 : i32
      %dma_start3A_255 = tpu.memref_slice %arg2[%add3A, %dma_start3A_253, %dma_start3A_254] : memref<32x80x125xi32, #tpu.memory_space<hbm>> -> memref<1x80x125xi32, #tpu.memory_space<hbm>>
      %dma_start3A_256 = tpu.memref_squeeze %dma_start3A_255 : memref<1x80x125xi32, #tpu.memory_space<hbm>> -> memref<80x125xi32, #tpu.memory_space<hbm>>
      tpu.enqueue_dma source(%dma_start3A_256 : memref<80x125xi32, #tpu.memory_space<hbm>>) target(%arg5 : memref<80x125xi32, #tpu.memory_space<vmem>>) target_semaphore(%run_scoped3A : memref<!tpu.dma_semaphore, #tpu.memory_space<semaphore_mem>>)
      %dma_wait3A = arith.constant 0 : i32
      %dma_wait3A_257 = arith.constant 0 : i32
      %dma_wait3A_258 = tpu.memref_slice %arg2[%add3A, %dma_wait3A, %dma_wait3A_257] : memref<32x80x125xi32, #tpu.memory_space<hbm>> -> memref<1x80x125xi32, #tpu.memory_space<hbm>>
      %dma_wait3A_259 = tpu.memref_squeeze %dma_wait3A_258 : memref<1x80x125xi32, #tpu.memory_space<hbm>> -> memref<80x125xi32, #tpu.memory_space<hbm>>
      %dma_wait3A_260 = arith.constant 0 : i32
      %dma_wait3A_261 = arith.constant 0 : i32
      %dma_wait3A_262 = tpu.memref_slice %arg2[%add3A, %dma_wait3A_260, %dma_wait3A_261] : memref<32x80x125xi32, #tpu.memory_space<hbm>> -> memref<1x80x125xi32, #tpu.memory_space<hbm>>
      %dma_wait3A_263 = tpu.memref_squeeze %dma_wait3A_262 : memref<1x80x125xi32, #tpu.memory_space<hbm>> -> memref<80x125xi32, #tpu.memory_space<hbm>>
      tpu.wait_dma2 semaphore(%run_scoped3A : memref<!tpu.dma_semaphore, #tpu.memory_space<semaphore_mem>>) src(%dma_wait3A_263 : memref<80x125xi32, #tpu.memory_space<hbm>>) dst(%arg5 : memref<80x125xi32, #tpu.memory_space<vmem>>)
      tpu.yield
    }) : () -> ()
    "tpu.region"() ({
      %run_scoped3A = tpu.sem_alloc : memref<!tpu.dma_semaphore, #tpu.memory_space<semaphore_mem>>
      tpu.enqueue_dma source(%arg3 : memref<125xf32, #tpu.memory_space<hbm>>) target(%arg6 : memref<125xf32, #tpu.memory_space<vmem>>) target_semaphore(%run_scoped3A : memref<!tpu.dma_semaphore, #tpu.memory_space<semaphore_mem>>)
      tpu.wait_dma2 semaphore(%run_scoped3A : memref<!tpu.dma_semaphore, #tpu.memory_space<semaphore_mem>>) src(%arg3 : memref<125xf32, #tpu.memory_space<hbm>>) dst(%arg6 : memref<125xf32, #tpu.memory_space<vmem>>)
      tpu.yield
    }) : () -> ()
    %broadcast_in_dim3A = arith.constant 0.000000e+00 : f32
    %broadcast_in_dim3A_3 = vector.broadcast %broadcast_in_dim3A : f32 to vector<16xf32>
    %swap3A = arith.constant 0 : index
    %swap3A_4 = tpu.vector_load %arg7[%swap3A] {strides = array<i32>} : memref<640xf32, #tpu.memory_space<vmem>>, vector<16xf32>,
    %swap3A_5 = vector.shape_cast %swap3A_4 : vector<16xf32> to vector<16xf32>
    %swap3A_6 = vector.shape_cast %broadcast_in_dim3A_3 : vector<16xf32> to vector<16xf32>
    tpu.vector_store %arg7[%swap3A], %swap3A_6 {strides = array<i32>} : memref<640xf32, #tpu.memory_space<vmem>>, vector<16xf32>,
    %broadcast_in_dim3A_7 = arith.constant 0.000000e+00 : f32
    %broadcast_in_dim3A_8 = vector.broadcast %broadcast_in_dim3A_7 : f32 to vector<16xf32>
    %swap3A_9 = arith.constant 16 : index
    %swap3A_10 = tpu.vector_load %arg7[%swap3A_9] {strides = array<i32>} : memref<640xf32, #tpu.memory_space<vmem>>, vector<16xf32>,
    %swap3A_11 = vector.shape_cast %swap3A_10 : vector<16xf32> to vector<16xf32>
    %swap3A_12 = vector.shape_cast %broadcast_in_dim3A_8 : vector<16xf32> to vector<16xf32>
    tpu.vector_store %arg7[%swap3A_9], %swap3A_12 {strides = array<i32>} : memref<640xf32, #tpu.memory_space<vmem>>, vector<16xf32>,
    %broadcast_in_dim3A_13 = arith.constant 0.000000e+00 : f32
    %broadcast_in_dim3A_14 = vector.broadcast %broadcast_in_dim3A_13 : f32 to vector<16xf32>
    %swap3A_15 = arith.constant 32 : index
    %swap3A_16 = tpu.vector_load %arg7[%swap3A_15] {strides = array<i32>} : memref<640xf32, #tpu.memory_space<vmem>>, vector<16xf32>,
    %swap3A_17 = vector.shape_cast %swap3A_16 : vector<16xf32> to vector<16xf32>
    %swap3A_18 = vector.shape_cast %broadcast_in_dim3A_14 : vector<16xf32> to vector<16xf32>
    tpu.vector_store %arg7[%swap3A_15], %swap3A_18 {strides = array<i32>} : memref<640xf32, #tpu.memory_space<vmem>>, vector<16xf32>,
    %broadcast_in_dim3A_19 = arith.constant 0.000000e+00 : f32
    %broadcast_in_dim3A_20 = vector.broadcast %broadcast_in_dim3A_19 : f32 to vector<16xf32>
    %swap3A_21 = arith.constant 48 : index
    %swap3A_22 = tpu.vector_load %arg7[%swap3A_21] {strides = array<i32>} : memref<640xf32, #tpu.memory_space<vmem>>, vector<16xf32>,
    %swap3A_23 = vector.shape_cast %swap3A_22 : vector<16xf32> to vector<16xf32>
    %swap3A_24 = vector.shape_cast %broadcast_in_dim3A_20 : vector<16xf32> to vector<16xf32>
    tpu.vector_store %arg7[%swap3A_21], %swap3A_24 {strides = array<i32>} : memref<640xf32, #tpu.memory_space<vmem>>, vector<16xf32>,
    %broadcast_in_dim3A_25 = arith.constant 0.000000e+00 : f32
    %broadcast_in_dim3A_26 = vector.broadcast %broadcast_in_dim3A_25 : f32 to vector<16xf32>
    %swap3A_27 = arith.constant 64 : index
    %swap3A_28 = tpu.vector_load %arg7[%swap3A_27] {strides = array<i32>} : memref<640xf32, #tpu.memory_space<vmem>>, vector<16xf32>,
    %swap3A_29 = vector.shape_cast %swap3A_28 : vector<16xf32> to vector<16xf32>
    %swap3A_30 = vector.shape_cast %broadcast_in_dim3A_26 : vector<16xf32> to vector<16xf32>
    tpu.vector_store %arg7[%swap3A_27], %swap3A_30 {strides = array<i32>} : memref<640xf32, #tpu.memory_space<vmem>>, vector<16xf32>,
    %broadcast_in_dim3A_31 = arith.constant 0.000000e+00 : f32
    %broadcast_in_dim3A_32 = vector.broadcast %broadcast_in_dim3A_31 : f32 to vector<16xf32>
    %swap3A_33 = arith.constant 80 : index
    %swap3A_34 = tpu.vector_load %arg7[%swap3A_33] {strides = array<i32>} : memref<640xf32, #tpu.memory_space<vmem>>, vector<16xf32>,
    %swap3A_35 = vector.shape_cast %swap3A_34 : vector<16xf32> to vector<16xf32>
    %swap3A_36 = vector.shape_cast %broadcast_in_dim3A_32 : vector<16xf32> to vector<16xf32>
    tpu.vector_store %arg7[%swap3A_33], %swap3A_36 {strides = array<i32>} : memref<640xf32, #tpu.memory_space<vmem>>, vector<16xf32>,
    %broadcast_in_dim3A_37 = arith.constant 0.000000e+00 : f32
    %broadcast_in_dim3A_38 = vector.broadcast %broadcast_in_dim3A_37 : f32 to vector<16xf32>
    %swap3A_39 = arith.constant 96 : index
    %swap3A_40 = tpu.vector_load %arg7[%swap3A_39] {strides = array<i32>} : memref<640xf32, #tpu.memory_space<vmem>>, vector<16xf32>,
    %swap3A_41 = vector.shape_cast %swap3A_40 : vector<16xf32> to vector<16xf32>
    %swap3A_42 = vector.shape_cast %broadcast_in_dim3A_38 : vector<16xf32> to vector<16xf32>
    tpu.vector_store %arg7[%swap3A_39], %swap3A_42 {strides = array<i32>} : memref<640xf32, #tpu.memory_space<vmem>>, vector<16xf32>,
    %broadcast_in_dim3A_43 = arith.constant 0.000000e+00 : f32
    %broadcast_in_dim3A_44 = vector.broadcast %broadcast_in_dim3A_43 : f32 to vector<16xf32>
    %swap3A_45 = arith.constant 112 : index
    %swap3A_46 = tpu.vector_load %arg7[%swap3A_45] {strides = array<i32>} : memref<640xf32, #tpu.memory_space<vmem>>, vector<16xf32>,
    %swap3A_47 = vector.shape_cast %swap3A_46 : vector<16xf32> to vector<16xf32>
    %swap3A_48 = vector.shape_cast %broadcast_in_dim3A_44 : vector<16xf32> to vector<16xf32>
    tpu.vector_store %arg7[%swap3A_45], %swap3A_48 {strides = array<i32>} : memref<640xf32, #tpu.memory_space<vmem>>, vector<16xf32>,
    %broadcast_in_dim3A_49 = arith.constant 0.000000e+00 : f32
    %broadcast_in_dim3A_50 = vector.broadcast %broadcast_in_dim3A_49 : f32 to vector<16xf32>
    %swap3A_51 = arith.constant 128 : index
    %swap3A_52 = tpu.vector_load %arg7[%swap3A_51] {strides = array<i32>} : memref<640xf32, #tpu.memory_space<vmem>>, vector<16xf32>,
    %swap3A_53 = vector.shape_cast %swap3A_52 : vector<16xf32> to vector<16xf32>
    %swap3A_54 = vector.shape_cast %broadcast_in_dim3A_50 : vector<16xf32> to vector<16xf32>
    tpu.vector_store %arg7[%swap3A_51], %swap3A_54 {strides = array<i32>} : memref<640xf32, #tpu.memory_space<vmem>>, vector<16xf32>,
    %broadcast_in_dim3A_55 = arith.constant 0.000000e+00 : f32
    %broadcast_in_dim3A_56 = vector.broadcast %broadcast_in_dim3A_55 : f32 to vector<16xf32>
    %swap3A_57 = arith.constant 144 : index
    %swap3A_58 = tpu.vector_load %arg7[%swap3A_57] {strides = array<i32>} : memref<640xf32, #tpu.memory_space<vmem>>, vector<16xf32>,
    %swap3A_59 = vector.shape_cast %swap3A_58 : vector<16xf32> to vector<16xf32>
    %swap3A_60 = vector.shape_cast %broadcast_in_dim3A_56 : vector<16xf32> to vector<16xf32>
    tpu.vector_store %arg7[%swap3A_57], %swap3A_60 {strides = array<i32>} : memref<640xf32, #tpu.memory_space<vmem>>, vector<16xf32>,
    %broadcast_in_dim3A_61 = arith.constant 0.000000e+00 : f32
    %broadcast_in_dim3A_62 = vector.broadcast %broadcast_in_dim3A_61 : f32 to vector<16xf32>
    %swap3A_63 = arith.constant 160 : index
    %swap3A_64 = tpu.vector_load %arg7[%swap3A_63] {strides = array<i32>} : memref<640xf32, #tpu.memory_space<vmem>>, vector<16xf32>,
    %swap3A_65 = vector.shape_cast %swap3A_64 : vector<16xf32> to vector<16xf32>
    %swap3A_66 = vector.shape_cast %broadcast_in_dim3A_62 : vector<16xf32> to vector<16xf32>
    tpu.vector_store %arg7[%swap3A_63], %swap3A_66 {strides = array<i32>} : memref<640xf32, #tpu.memory_space<vmem>>, vector<16xf32>,
    %broadcast_in_dim3A_67 = arith.constant 0.000000e+00 : f32
    %broadcast_in_dim3A_68 = vector.broadcast %broadcast_in_dim3A_67 : f32 to vector<16xf32>
    %swap3A_69 = arith.constant 176 : index
    %swap3A_70 = tpu.vector_load %arg7[%swap3A_69] {strides = array<i32>} : memref<640xf32, #tpu.memory_space<vmem>>, vector<16xf32>,
    %swap3A_71 = vector.shape_cast %swap3A_70 : vector<16xf32> to vector<16xf32>
    %swap3A_72 = vector.shape_cast %broadcast_in_dim3A_68 : vector<16xf32> to vector<16xf32>
    tpu.vector_store %arg7[%swap3A_69], %swap3A_72 {strides = array<i32>} : memref<640xf32, #tpu.memory_space<vmem>>, vector<16xf32>,
    %broadcast_in_dim3A_73 = arith.constant 0.000000e+00 : f32
    %broadcast_in_dim3A_74 = vector.broadcast %broadcast_in_dim3A_73 : f32 to vector<16xf32>
    %swap3A_75 = arith.constant 192 : index
    %swap3A_76 = tpu.vector_load %arg7[%swap3A_75] {strides = array<i32>} : memref<640xf32, #tpu.memory_space<vmem>>, vector<16xf32>,
    %swap3A_77 = vector.shape_cast %swap3A_76 : vector<16xf32> to vector<16xf32>
    %swap3A_78 = vector.shape_cast %broadcast_in_dim3A_74 : vector<16xf32> to vector<16xf32>
    tpu.vector_store %arg7[%swap3A_75], %swap3A_78 {strides = array<i32>} : memref<640xf32, #tpu.memory_space<vmem>>, vector<16xf32>,
    %broadcast_in_dim3A_79 = arith.constant 0.000000e+00 : f32
    %broadcast_in_dim3A_80 = vector.broadcast %broadcast_in_dim3A_79 : f32 to vector<16xf32>
    %swap3A_81 = arith.constant 208 : index
    %swap3A_82 = tpu.vector_load %arg7[%swap3A_81] {strides = array<i32>} : memref<640xf32, #tpu.memory_space<vmem>>, vector<16xf32>,
    %swap3A_83 = vector.shape_cast %swap3A_82 : vector<16xf32> to vector<16xf32>
    %swap3A_84 = vector.shape_cast %broadcast_in_dim3A_80 : vector<16xf32> to vector<16xf32>
    tpu.vector_store %arg7[%swap3A_81], %swap3A_84 {strides = array<i32>} : memref<640xf32, #tpu.memory_space<vmem>>, vector<16xf32>,
    %broadcast_in_dim3A_85 = arith.constant 0.000000e+00 : f32
    %broadcast_in_dim3A_86 = vector.broadcast %broadcast_in_dim3A_85 : f32 to vector<16xf32>
    %swap3A_87 = arith.constant 224 : index
    %swap3A_88 = tpu.vector_load %arg7[%swap3A_87] {strides = array<i32>} : memref<640xf32, #tpu.memory_space<vmem>>, vector<16xf32>,
    %swap3A_89 = vector.shape_cast %swap3A_88 : vector<16xf32> to vector<16xf32>
    %swap3A_90 = vector.shape_cast %broadcast_in_dim3A_86 : vector<16xf32> to vector<16xf32>
    tpu.vector_store %arg7[%swap3A_87], %swap3A_90 {strides = array<i32>} : memref<640xf32, #tpu.memory_space<vmem>>, vector<16xf32>,
    %broadcast_in_dim3A_91 = arith.constant 0.000000e+00 : f32
    %broadcast_in_dim3A_92 = vector.broadcast %broadcast_in_dim3A_91 : f32 to vector<16xf32>
    %swap3A_93 = arith.constant 240 : index
    %swap3A_94 = tpu.vector_load %arg7[%swap3A_93] {strides = array<i32>} : memref<640xf32, #tpu.memory_space<vmem>>, vector<16xf32>,
    %swap3A_95 = vector.shape_cast %swap3A_94 : vector<16xf32> to vector<16xf32>
    %swap3A_96 = vector.shape_cast %broadcast_in_dim3A_92 : vector<16xf32> to vector<16xf32>
    tpu.vector_store %arg7[%swap3A_93], %swap3A_96 {strides = array<i32>} : memref<640xf32, #tpu.memory_space<vmem>>, vector<16xf32>,
    %broadcast_in_dim3A_97 = arith.constant 0.000000e+00 : f32
    %broadcast_in_dim3A_98 = vector.broadcast %broadcast_in_dim3A_97 : f32 to vector<16xf32>
    %swap3A_99 = arith.constant 256 : index
    %swap3A_100 = tpu.vector_load %arg7[%swap3A_99] {strides = array<i32>} : memref<640xf32, #tpu.memory_space<vmem>>, vector<16xf32>,
    %swap3A_101 = vector.shape_cast %swap3A_100 : vector<16xf32> to vector<16xf32>
    %swap3A_102 = vector.shape_cast %broadcast_in_dim3A_98 : vector<16xf32> to vector<16xf32>
    tpu.vector_store %arg7[%swap3A_99], %swap3A_102 {strides = array<i32>} : memref<640xf32, #tpu.memory_space<vmem>>, vector<16xf32>,
    %broadcast_in_dim3A_103 = arith.constant 0.000000e+00 : f32
    %broadcast_in_dim3A_104 = vector.broadcast %broadcast_in_dim3A_103 : f32 to vector<16xf32>
    %swap3A_105 = arith.constant 272 : index
    %swap3A_106 = tpu.vector_load %arg7[%swap3A_105] {strides = array<i32>} : memref<640xf32, #tpu.memory_space<vmem>>, vector<16xf32>,
    %swap3A_107 = vector.shape_cast %swap3A_106 : vector<16xf32> to vector<16xf32>
    %swap3A_108 = vector.shape_cast %broadcast_in_dim3A_104 : vector<16xf32> to vector<16xf32>
    tpu.vector_store %arg7[%swap3A_105], %swap3A_108 {strides = array<i32>} : memref<640xf32, #tpu.memory_space<vmem>>, vector<16xf32>,
    %broadcast_in_dim3A_109 = arith.constant 0.000000e+00 : f32
    %broadcast_in_dim3A_110 = vector.broadcast %broadcast_in_dim3A_109 : f32 to vector<16xf32>
    %swap3A_111 = arith.constant 288 : index
    %swap3A_112 = tpu.vector_load %arg7[%swap3A_111] {strides = array<i32>} : memref<640xf32, #tpu.memory_space<vmem>>, vector<16xf32>,
    %swap3A_113 = vector.shape_cast %swap3A_112 : vector<16xf32> to vector<16xf32>
    %swap3A_114 = vector.shape_cast %broadcast_in_dim3A_110 : vector<16xf32> to vector<16xf32>
    tpu.vector_store %arg7[%swap3A_111], %swap3A_114 {strides = array<i32>} : memref<640xf32, #tpu.memory_space<vmem>>, vector<16xf32>,
    %broadcast_in_dim3A_115 = arith.constant 0.000000e+00 : f32
    %broadcast_in_dim3A_116 = vector.broadcast %broadcast_in_dim3A_115 : f32 to vector<16xf32>
    %swap3A_117 = arith.constant 304 : index
    %swap3A_118 = tpu.vector_load %arg7[%swap3A_117] {strides = array<i32>} : memref<640xf32, #tpu.memory_space<vmem>>, vector<16xf32>,
    %swap3A_119 = vector.shape_cast %swap3A_118 : vector<16xf32> to vector<16xf32>
    %swap3A_120 = vector.shape_cast %broadcast_in_dim3A_116 : vector<16xf32> to vector<16xf32>
    tpu.vector_store %arg7[%swap3A_117], %swap3A_120 {strides = array<i32>} : memref<640xf32, #tpu.memory_space<vmem>>, vector<16xf32>,
    %broadcast_in_dim3A_121 = arith.constant 0.000000e+00 : f32
    %broadcast_in_dim3A_122 = vector.broadcast %broadcast_in_dim3A_121 : f32 to vector<16xf32>
    %swap3A_123 = arith.constant 320 : index
    %swap3A_124 = tpu.vector_load %arg7[%swap3A_123] {strides = array<i32>} : memref<640xf32, #tpu.memory_space<vmem>>, vector<16xf32>,
    %swap3A_125 = vector.shape_cast %swap3A_124 : vector<16xf32> to vector<16xf32>
    %swap3A_126 = vector.shape_cast %broadcast_in_dim3A_122 : vector<16xf32> to vector<16xf32>
    tpu.vector_store %arg7[%swap3A_123], %swap3A_126 {strides = array<i32>} : memref<640xf32, #tpu.memory_space<vmem>>, vector<16xf32>,
    %broadcast_in_dim3A_127 = arith.constant 0.000000e+00 : f32
    %broadcast_in_dim3A_128 = vector.broadcast %broadcast_in_dim3A_127 : f32 to vector<16xf32>
    %swap3A_129 = arith.constant 336 : index
    %swap3A_130 = tpu.vector_load %arg7[%swap3A_129] {strides = array<i32>} : memref<640xf32, #tpu.memory_space<vmem>>, vector<16xf32>,
    %swap3A_131 = vector.shape_cast %swap3A_130 : vector<16xf32> to vector<16xf32>
    %swap3A_132 = vector.shape_cast %broadcast_in_dim3A_128 : vector<16xf32> to vector<16xf32>
    tpu.vector_store %arg7[%swap3A_129], %swap3A_132 {strides = array<i32>} : memref<640xf32, #tpu.memory_space<vmem>>, vector<16xf32>,
    %broadcast_in_dim3A_133 = arith.constant 0.000000e+00 : f32
    %broadcast_in_dim3A_134 = vector.broadcast %broadcast_in_dim3A_133 : f32 to vector<16xf32>
    %swap3A_135 = arith.constant 352 : index
    %swap3A_136 = tpu.vector_load %arg7[%swap3A_135] {strides = array<i32>} : memref<640xf32, #tpu.memory_space<vmem>>, vector<16xf32>,
    %swap3A_137 = vector.shape_cast %swap3A_136 : vector<16xf32> to vector<16xf32>
    %swap3A_138 = vector.shape_cast %broadcast_in_dim3A_134 : vector<16xf32> to vector<16xf32>
    tpu.vector_store %arg7[%swap3A_135], %swap3A_138 {strides = array<i32>} : memref<640xf32, #tpu.memory_space<vmem>>, vector<16xf32>,
    %broadcast_in_dim3A_139 = arith.constant 0.000000e+00 : f32
    %broadcast_in_dim3A_140 = vector.broadcast %broadcast_in_dim3A_139 : f32 to vector<16xf32>
    %swap3A_141 = arith.constant 368 : index
    %swap3A_142 = tpu.vector_load %arg7[%swap3A_141] {strides = array<i32>} : memref<640xf32, #tpu.memory_space<vmem>>, vector<16xf32>,
    %swap3A_143 = vector.shape_cast %swap3A_142 : vector<16xf32> to vector<16xf32>
    %swap3A_144 = vector.shape_cast %broadcast_in_dim3A_140 : vector<16xf32> to vector<16xf32>
    tpu.vector_store %arg7[%swap3A_141], %swap3A_144 {strides = array<i32>} : memref<640xf32, #tpu.memory_space<vmem>>, vector<16xf32>,
    %broadcast_in_dim3A_145 = arith.constant 0.000000e+00 : f32
    %broadcast_in_dim3A_146 = vector.broadcast %broadcast_in_dim3A_145 : f32 to vector<16xf32>
    %swap3A_147 = arith.constant 384 : index
    %swap3A_148 = tpu.vector_load %arg7[%swap3A_147] {strides = array<i32>} : memref<640xf32, #tpu.memory_space<vmem>>, vector<16xf32>,
    %swap3A_149 = vector.shape_cast %swap3A_148 : vector<16xf32> to vector<16xf32>
    %swap3A_150 = vector.shape_cast %broadcast_in_dim3A_146 : vector<16xf32> to vector<16xf32>
    tpu.vector_store %arg7[%swap3A_147], %swap3A_150 {strides = array<i32>} : memref<640xf32, #tpu.memory_space<vmem>>, vector<16xf32>,
    %broadcast_in_dim3A_151 = arith.constant 0.000000e+00 : f32
    %broadcast_in_dim3A_152 = vector.broadcast %broadcast_in_dim3A_151 : f32 to vector<16xf32>
    %swap3A_153 = arith.constant 400 : index
    %swap3A_154 = tpu.vector_load %arg7[%swap3A_153] {strides = array<i32>} : memref<640xf32, #tpu.memory_space<vmem>>, vector<16xf32>,
    %swap3A_155 = vector.shape_cast %swap3A_154 : vector<16xf32> to vector<16xf32>
    %swap3A_156 = vector.shape_cast %broadcast_in_dim3A_152 : vector<16xf32> to vector<16xf32>
    tpu.vector_store %arg7[%swap3A_153], %swap3A_156 {strides = array<i32>} : memref<640xf32, #tpu.memory_space<vmem>>, vector<16xf32>,
    %broadcast_in_dim3A_157 = arith.constant 0.000000e+00 : f32
    %broadcast_in_dim3A_158 = vector.broadcast %broadcast_in_dim3A_157 : f32 to vector<16xf32>
    %swap3A_159 = arith.constant 416 : index
    %swap3A_160 = tpu.vector_load %arg7[%swap3A_159] {strides = array<i32>} : memref<640xf32, #tpu.memory_space<vmem>>, vector<16xf32>,
    %swap3A_161 = vector.shape_cast %swap3A_160 : vector<16xf32> to vector<16xf32>
    %swap3A_162 = vector.shape_cast %broadcast_in_dim3A_158 : vector<16xf32> to vector<16xf32>
    tpu.vector_store %arg7[%swap3A_159], %swap3A_162 {strides = array<i32>} : memref<640xf32, #tpu.memory_space<vmem>>, vector<16xf32>,
    %broadcast_in_dim3A_163 = arith.constant 0.000000e+00 : f32
    %broadcast_in_dim3A_164 = vector.broadcast %broadcast_in_dim3A_163 : f32 to vector<16xf32>
    %swap3A_165 = arith.constant 432 : index
    %swap3A_166 = tpu.vector_load %arg7[%swap3A_165] {strides = array<i32>} : memref<640xf32, #tpu.memory_space<vmem>>, vector<16xf32>,
    %swap3A_167 = vector.shape_cast %swap3A_166 : vector<16xf32> to vector<16xf32>
    %swap3A_168 = vector.shape_cast %broadcast_in_dim3A_164 : vector<16xf32> to vector<16xf32>
    tpu.vector_store %arg7[%swap3A_165], %swap3A_168 {strides = array<i32>} : memref<640xf32, #tpu.memory_space<vmem>>, vector<16xf32>,
    %broadcast_in_dim3A_169 = arith.constant 0.000000e+00 : f32
    %broadcast_in_dim3A_170 = vector.broadcast %broadcast_in_dim3A_169 : f32 to vector<16xf32>
    %swap3A_171 = arith.constant 448 : index
    %swap3A_172 = tpu.vector_load %arg7[%swap3A_171] {strides = array<i32>} : memref<640xf32, #tpu.memory_space<vmem>>, vector<16xf32>,
    %swap3A_173 = vector.shape_cast %swap3A_172 : vector<16xf32> to vector<16xf32>
    %swap3A_174 = vector.shape_cast %broadcast_in_dim3A_170 : vector<16xf32> to vector<16xf32>
    tpu.vector_store %arg7[%swap3A_171], %swap3A_174 {strides = array<i32>} : memref<640xf32, #tpu.memory_space<vmem>>, vector<16xf32>,
    %broadcast_in_dim3A_175 = arith.constant 0.000000e+00 : f32
    %broadcast_in_dim3A_176 = vector.broadcast %broadcast_in_dim3A_175 : f32 to vector<16xf32>
    %swap3A_177 = arith.constant 464 : index
    %swap3A_178 = tpu.vector_load %arg7[%swap3A_177] {strides = array<i32>} : memref<640xf32, #tpu.memory_space<vmem>>, vector<16xf32>,
    %swap3A_179 = vector.shape_cast %swap3A_178 : vector<16xf32> to vector<16xf32>
    %swap3A_180 = vector.shape_cast %broadcast_in_dim3A_176 : vector<16xf32> to vector<16xf32>
    tpu.vector_store %arg7[%swap3A_177], %swap3A_180 {strides = array<i32>} : memref<640xf32, #tpu.memory_space<vmem>>, vector<16xf32>,
    %broadcast_in_dim3A_181 = arith.constant 0.000000e+00 : f32
    %broadcast_in_dim3A_182 = vector.broadcast %broadcast_in_dim3A_181 : f32 to vector<16xf32>
    %swap3A_183 = arith.constant 480 : index
    %swap3A_184 = tpu.vector_load %arg7[%swap3A_183] {strides = array<i32>} : memref<640xf32, #tpu.memory_space<vmem>>, vector<16xf32>,
    %swap3A_185 = vector.shape_cast %swap3A_184 : vector<16xf32> to vector<16xf32>
    %swap3A_186 = vector.shape_cast %broadcast_in_dim3A_182 : vector<16xf32> to vector<16xf32>
    tpu.vector_store %arg7[%swap3A_183], %swap3A_186 {strides = array<i32>} : memref<640xf32, #tpu.memory_space<vmem>>, vector<16xf32>,
    %broadcast_in_dim3A_187 = arith.constant 0.000000e+00 : f32
    %broadcast_in_dim3A_188 = vector.broadcast %broadcast_in_dim3A_187 : f32 to vector<16xf32>
    %swap3A_189 = arith.constant 496 : index
    %swap3A_190 = tpu.vector_load %arg7[%swap3A_189] {strides = array<i32>} : memref<640xf32, #tpu.memory_space<vmem>>, vector<16xf32>,
    %swap3A_191 = vector.shape_cast %swap3A_190 : vector<16xf32> to vector<16xf32>
    %swap3A_192 = vector.shape_cast %broadcast_in_dim3A_188 : vector<16xf32> to vector<16xf32>
    tpu.vector_store %arg7[%swap3A_189], %swap3A_192 {strides = array<i32>} : memref<640xf32, #tpu.memory_space<vmem>>, vector<16xf32>,
    %broadcast_in_dim3A_193 = arith.constant 0.000000e+00 : f32
    %broadcast_in_dim3A_194 = vector.broadcast %broadcast_in_dim3A_193 : f32 to vector<16xf32>
    %swap3A_195 = arith.constant 512 : index
    %swap3A_196 = tpu.vector_load %arg7[%swap3A_195] {strides = array<i32>} : memref<640xf32, #tpu.memory_space<vmem>>, vector<16xf32>,
    %swap3A_197 = vector.shape_cast %swap3A_196 : vector<16xf32> to vector<16xf32>
    %swap3A_198 = vector.shape_cast %broadcast_in_dim3A_194 : vector<16xf32> to vector<16xf32>
    tpu.vector_store %arg7[%swap3A_195], %swap3A_198 {strides = array<i32>} : memref<640xf32, #tpu.memory_space<vmem>>, vector<16xf32>,
    %broadcast_in_dim3A_199 = arith.constant 0.000000e+00 : f32
    %broadcast_in_dim3A_200 = vector.broadcast %broadcast_in_dim3A_199 : f32 to vector<16xf32>
    %swap3A_201 = arith.constant 528 : index
    %swap3A_202 = tpu.vector_load %arg7[%swap3A_201] {strides = array<i32>} : memref<640xf32, #tpu.memory_space<vmem>>, vector<16xf32>,
    %swap3A_203 = vector.shape_cast %swap3A_202 : vector<16xf32> to vector<16xf32>
    %swap3A_204 = vector.shape_cast %broadcast_in_dim3A_200 : vector<16xf32> to vector<16xf32>
    tpu.vector_store %arg7[%swap3A_201], %swap3A_204 {strides = array<i32>} : memref<640xf32, #tpu.memory_space<vmem>>, vector<16xf32>,
    %broadcast_in_dim3A_205 = arith.constant 0.000000e+00 : f32
    %broadcast_in_dim3A_206 = vector.broadcast %broadcast_in_dim3A_205 : f32 to vector<16xf32>
    %swap3A_207 = arith.constant 544 : index
    %swap3A_208 = tpu.vector_load %arg7[%swap3A_207] {strides = array<i32>} : memref<640xf32, #tpu.memory_space<vmem>>, vector<16xf32>,
    %swap3A_209 = vector.shape_cast %swap3A_208 : vector<16xf32> to vector<16xf32>
    %swap3A_210 = vector.shape_cast %broadcast_in_dim3A_206 : vector<16xf32> to vector<16xf32>
    tpu.vector_store %arg7[%swap3A_207], %swap3A_210 {strides = array<i32>} : memref<640xf32, #tpu.memory_space<vmem>>, vector<16xf32>,
    %broadcast_in_dim3A_211 = arith.constant 0.000000e+00 : f32
    %broadcast_in_dim3A_212 = vector.broadcast %broadcast_in_dim3A_211 : f32 to vector<16xf32>
    %swap3A_213 = arith.constant 560 : index
    %swap3A_214 = tpu.vector_load %arg7[%swap3A_213] {strides = array<i32>} : memref<640xf32, #tpu.memory_space<vmem>>, vector<16xf32>,
    %swap3A_215 = vector.shape_cast %swap3A_214 : vector<16xf32> to vector<16xf32>
    %swap3A_216 = vector.shape_cast %broadcast_in_dim3A_212 : vector<16xf32> to vector<16xf32>
    tpu.vector_store %arg7[%swap3A_213], %swap3A_216 {strides = array<i32>} : memref<640xf32, #tpu.memory_space<vmem>>, vector<16xf32>,
    %broadcast_in_dim3A_217 = arith.constant 0.000000e+00 : f32
    %broadcast_in_dim3A_218 = vector.broadcast %broadcast_in_dim3A_217 : f32 to vector<16xf32>
    %swap3A_219 = arith.constant 576 : index
    %swap3A_220 = tpu.vector_load %arg7[%swap3A_219] {strides = array<i32>} : memref<640xf32, #tpu.memory_space<vmem>>, vector<16xf32>,
    %swap3A_221 = vector.shape_cast %swap3A_220 : vector<16xf32> to vector<16xf32>
    %swap3A_222 = vector.shape_cast %broadcast_in_dim3A_218 : vector<16xf32> to vector<16xf32>
    tpu.vector_store %arg7[%swap3A_219], %swap3A_222 {strides = array<i32>} : memref<640xf32, #tpu.memory_space<vmem>>, vector<16xf32>,
    %broadcast_in_dim3A_223 = arith.constant 0.000000e+00 : f32
    %broadcast_in_dim3A_224 = vector.broadcast %broadcast_in_dim3A_223 : f32 to vector<16xf32>
    %swap3A_225 = arith.constant 592 : index
    %swap3A_226 = tpu.vector_load %arg7[%swap3A_225] {strides = array<i32>} : memref<640xf32, #tpu.memory_space<vmem>>, vector<16xf32>,
    %swap3A_227 = vector.shape_cast %swap3A_226 : vector<16xf32> to vector<16xf32>
    %swap3A_228 = vector.shape_cast %broadcast_in_dim3A_224 : vector<16xf32> to vector<16xf32>
    tpu.vector_store %arg7[%swap3A_225], %swap3A_228 {strides = array<i32>} : memref<640xf32, #tpu.memory_space<vmem>>, vector<16xf32>,
    %broadcast_in_dim3A_229 = arith.constant 0.000000e+00 : f32
    %broadcast_in_dim3A_230 = vector.broadcast %broadcast_in_dim3A_229 : f32 to vector<16xf32>
    %swap3A_231 = arith.constant 608 : index
    %swap3A_232 = tpu.vector_load %arg7[%swap3A_231] {strides = array<i32>} : memref<640xf32, #tpu.memory_space<vmem>>, vector<16xf32>,
    %swap3A_233 = vector.shape_cast %swap3A_232 : vector<16xf32> to vector<16xf32>
    %swap3A_234 = vector.shape_cast %broadcast_in_dim3A_230 : vector<16xf32> to vector<16xf32>
    tpu.vector_store %arg7[%swap3A_231], %swap3A_234 {strides = array<i32>} : memref<640xf32, #tpu.memory_space<vmem>>, vector<16xf32>,
    %broadcast_in_dim3A_235 = arith.constant 0.000000e+00 : f32
    %broadcast_in_dim3A_236 = vector.broadcast %broadcast_in_dim3A_235 : f32 to vector<16xf32>
    %swap3A_237 = arith.constant 624 : index
    %swap3A_238 = tpu.vector_load %arg7[%swap3A_237] {strides = array<i32>} : memref<640xf32, #tpu.memory_space<vmem>>, vector<16xf32>,
    %swap3A_239 = vector.shape_cast %swap3A_238 : vector<16xf32> to vector<16xf32>
    %swap3A_240 = vector.shape_cast %broadcast_in_dim3A_236 : vector<16xf32> to vector<16xf32>
    tpu.vector_store %arg7[%swap3A_237], %swap3A_240 {strides = array<i32>} : memref<640xf32, #tpu.memory_space<vmem>>, vector<16xf32>,
    "tpu.region"() ({
      %run_scoped3A = tpu.sem_alloc : memref<!tpu.dma_semaphore, #tpu.memory_space<semaphore_mem>>
      %dma_start3A = tpu.memref_slice %arg8[%mul3A_2] : memref<10240xf32, #tpu.memory_space<vmem_shared>> -> memref<640xf32, #tpu.memory_space<vmem_shared>>
      %dma_start3A_250 = tpu.memref_slice %arg8[%mul3A_2] : memref<10240xf32, #tpu.memory_space<vmem_shared>> -> memref<640xf32, #tpu.memory_space<vmem_shared>>
      tpu.enqueue_dma source(%arg7 : memref<640xf32, #tpu.memory_space<vmem>>) target(%dma_start3A_250 : memref<640xf32, #tpu.memory_space<vmem_shared>>) target_semaphore(%run_scoped3A : memref<!tpu.dma_semaphore, #tpu.memory_space<semaphore_mem>>)
      %dma_wait3A = tpu.memref_slice %arg8[%mul3A_2] : memref<10240xf32, #tpu.memory_space<vmem_shared>> -> memref<640xf32, #tpu.memory_space<vmem_shared>>
      %dma_wait3A_251 = tpu.memref_slice %arg8[%mul3A_2] : memref<10240xf32, #tpu.memory_space<vmem_shared>> -> memref<640xf32, #tpu.memory_space<vmem_shared>>
      tpu.wait_dma2 semaphore(%run_scoped3A : memref<!tpu.dma_semaphore, #tpu.memory_space<semaphore_mem>>) src(%arg7 : memref<640xf32, #tpu.memory_space<vmem>>) dst(%dma_wait3A_251 : memref<640xf32, #tpu.memory_space<vmem_shared>>)
      tpu.yield
    }) : () -> ()
    %barrier3A = arith.constant 0 : index
    tpu.barrier barrier_id(%barrier3A)
    %scan3A = arith.constant 0 : i32
    %scan3A_241 = arith.constant 0 : i32
    %scan3A_242 = arith.constant 80 : i32
    %scan3A_243 = arith.addi %scan3A_241, %scan3A_242 : i32
    %scan3A_244 = arith.constant 1 : i32
    scf.for %scan3A_250 = %scan3A_241 to %scan3A_243 step %scan3A_244  : i32 {
      "tpu.region"() ({
        %run_scoped3A = tpu.sem_alloc : memref<!tpu.dma_semaphore, #tpu.memory_space<semaphore_mem>>
        %dma_start3A = arith.constant 0 : i32
        %dma_start3A_251 = tpu.memref_slice %arg5[%scan3A_250, %dma_start3A] : memref<80x125xi32, #tpu.memory_space<vmem>> -> memref<1x125xi32, #tpu.memory_space<vmem>>
        %dma_start3A_252 = tpu.memref_squeeze %dma_start3A_251 : memref<1x125xi32, #tpu.memory_space<vmem>> -> memref<125xi32, #tpu.memory_space<vmem>>
        %dma_start3A_253 = arith.constant 0 : i32
        %dma_start3A_254 = tpu.memref_slice %arg8[%dma_start3A_253] : memref<10240xf32, #tpu.memory_space<vmem_shared>> -> memref<10240xf32, #tpu.memory_space<vmem_shared>>
        tpu.enqueue_indirect_dma source(%arg6 : memref<125xf32, #tpu.memory_space<vmem>>) target(%dma_start3A_254 : memref<10240xf32, #tpu.memory_space<vmem_shared>>) offsets(%dma_start3A_252 : memref<125xi32, #tpu.memory_space<vmem>>) semaphore(%run_scoped3A : memref<!tpu.dma_semaphore, #tpu.memory_space<semaphore_mem>>) {add = true}
        %dma_wait3A = arith.constant 0 : i32
        %dma_wait3A_255 = tpu.memref_slice %arg5[%scan3A_250, %dma_wait3A] : memref<80x125xi32, #tpu.memory_space<vmem>> -> memref<1x125xi32, #tpu.memory_space<vmem>>
        %dma_wait3A_256 = tpu.memref_squeeze %dma_wait3A_255 : memref<1x125xi32, #tpu.memory_space<vmem>> -> memref<125xi32, #tpu.memory_space<vmem>>
        %dma_wait3A_257 = arith.constant 0 : i32
        %dma_wait3A_258 = tpu.memref_slice %arg8[%dma_wait3A_257] : memref<10240xf32, #tpu.memory_space<vmem_shared>> -> memref<10240xf32, #tpu.memory_space<vmem_shared>>
        tpu.wait_indirect_dma semaphore(%run_scoped3A : memref<!tpu.dma_semaphore, #tpu.memory_space<semaphore_mem>>) src(%arg6 : memref<125xf32, #tpu.memory_space<vmem>>) dst(%dma_wait3A_258 : memref<10240xf32, #tpu.memory_space<vmem_shared>>)
        tpu.yield
      }) : () -> ()
    }
    %scan3A_245 = arith.constant 80 : i32
    %barrier3A_246 = arith.constant 0 : index
    tpu.barrier barrier_id(%barrier3A_246)
    %mul3A_247 = arith.constant 10240 : i32
    %mul3A_248 = arith.muli %arg0, %mul3A_247 : i32
    %add3A_249 = arith.addi %mul3A_248, %mul3A_2 : i32
    "tpu.region"() ({
      %run_scoped3A = tpu.sem_alloc : memref<!tpu.dma_semaphore, #tpu.memory_space<semaphore_mem>>
      %dma_start3A = tpu.memref_slice %arg4[%add3A_249] : memref<20480xf32, #tpu.memory_space<hbm>> -> memref<640xf32, #tpu.memory_space<hbm>>
      %dma_start3A_250 = tpu.memref_slice %arg8[%mul3A_2] : memref<10240xf32, #tpu.memory_space<vmem_shared>> -> memref<640xf32, #tpu.memory_space<vmem_shared>>
      tpu.enqueue_dma source(%dma_start3A_250 : memref<640xf32, #tpu.memory_space<vmem_shared>>) target(%dma_start3A : memref<640xf32, #tpu.memory_space<hbm>>) target_semaphore(%run_scoped3A : memref<!tpu.dma_semaphore, #tpu.memory_space<semaphore_mem>>)
      %dma_wait3A = tpu.memref_slice %arg4[%add3A_249] : memref<20480xf32, #tpu.memory_space<hbm>> -> memref<640xf32, #tpu.memory_space<hbm>>
      %dma_wait3A_251 = tpu.memref_slice %arg8[%mul3A_2] : memref<10240xf32, #tpu.memory_space<vmem_shared>> -> memref<640xf32, #tpu.memory_space<vmem_shared>>
      tpu.wait_dma2 semaphore(%run_scoped3A : memref<!tpu.dma_semaphore, #tpu.memory_space<semaphore_mem>>) src(%dma_wait3A_251 : memref<640xf32, #tpu.memory_space<vmem_shared>>) dst(%dma_wait3A : memref<640xf32, #tpu.memory_space<hbm>>)
      tpu.yield
    }) : () -> ()
    return
  }
}

#map = affine_map<(d0, d1) -> (0, 0)>
#map1 = affine_map<(d0, d1) -> (0, 0, 0)>
module attributes {stable_mosaic.version = 14 : i64} {
  func.func @msg_kernel(%arg0: i32, %arg1: i32, %arg2: memref<10240x128xf32, #tpu.memory_space<hbm>>, %arg3: memref<32x80x125xi32, #tpu.memory_space<hbm>>, %arg4: memref<32x80x125xi32, #tpu.memory_space<hbm>>, %arg5: memref<128x128xf32, #tpu.memory_space<hbm>>, %arg6: memref<20480x128xf32, #tpu.memory_space<hbm>>, %arg7: memref<80x125xi32, #tpu.memory_space<vmem>>, %arg8: memref<80x125xi32, #tpu.memory_space<vmem>>, %arg9: memref<125x128xf32, #tpu.memory_space<vmem>>, %arg10: memref<10240x128xf32, #tpu.memory_space<vmem_shared>>, %arg11: memref<!tpu.dma_semaphore, #tpu.memory_space<semaphore_mem>>) attributes {dimension_semantics = [#tpu.dimension_semantics<core_parallel>, #tpu.dimension_semantics<subcore_parallel>], iteration_bounds = array<i64: 2, 16>, scalar_prefetch = 0 : i64, scratch_operands = 5 : i64, tpu.core_type = #tpu.core_type<sc_vector_subcore>, window_params = [{transform_indices = #map}, {transform_indices = #map1}, {transform_indices = #map1}, {transform_indices = #map}, {transform_indices = #map}]} {
    %mul3A = arith.constant 16 : i32
    %mul3A_0 = arith.muli %arg0, %mul3A : i32
    %add3A = arith.addi %mul3A_0, %arg1 : i32
    %mul3A_1 = arith.constant 640 : i32
    %mul3A_2 = arith.muli %arg1, %mul3A_1 : i32
    "tpu.region"() ({
      %run_scoped3A = tpu.sem_alloc : memref<!tpu.dma_semaphore, #tpu.memory_space<semaphore_mem>>
      %dma_start3A = arith.constant 0 : i32
      %dma_start3A_22 = arith.constant 0 : i32
      %dma_start3A_23 = tpu.memref_slice %arg3[%add3A, %dma_start3A, %dma_start3A_22] : memref<32x80x125xi32, #tpu.memory_space<hbm>> -> memref<1x80x125xi32, #tpu.memory_space<hbm>>
      %dma_start3A_24 = tpu.memref_squeeze %dma_start3A_23 : memref<1x80x125xi32, #tpu.memory_space<hbm>> -> memref<80x125xi32, #tpu.memory_space<hbm>>
      %dma_start3A_25 = arith.constant 0 : i32
      %dma_start3A_26 = arith.constant 0 : i32
      %dma_start3A_27 = tpu.memref_slice %arg3[%add3A, %dma_start3A_25, %dma_start3A_26] : memref<32x80x125xi32, #tpu.memory_space<hbm>> -> memref<1x80x125xi32, #tpu.memory_space<hbm>>
      %dma_start3A_28 = tpu.memref_squeeze %dma_start3A_27 : memref<1x80x125xi32, #tpu.memory_space<hbm>> -> memref<80x125xi32, #tpu.memory_space<hbm>>
      tpu.enqueue_dma source(%dma_start3A_28 : memref<80x125xi32, #tpu.memory_space<hbm>>) target(%arg7 : memref<80x125xi32, #tpu.memory_space<vmem>>) target_semaphore(%run_scoped3A : memref<!tpu.dma_semaphore, #tpu.memory_space<semaphore_mem>>)
      %dma_wait3A = arith.constant 0 : i32
      %dma_wait3A_29 = arith.constant 0 : i32
      %dma_wait3A_30 = tpu.memref_slice %arg3[%add3A, %dma_wait3A, %dma_wait3A_29] : memref<32x80x125xi32, #tpu.memory_space<hbm>> -> memref<1x80x125xi32, #tpu.memory_space<hbm>>
      %dma_wait3A_31 = tpu.memref_squeeze %dma_wait3A_30 : memref<1x80x125xi32, #tpu.memory_space<hbm>> -> memref<80x125xi32, #tpu.memory_space<hbm>>
      %dma_wait3A_32 = arith.constant 0 : i32
      %dma_wait3A_33 = arith.constant 0 : i32
      %dma_wait3A_34 = tpu.memref_slice %arg3[%add3A, %dma_wait3A_32, %dma_wait3A_33] : memref<32x80x125xi32, #tpu.memory_space<hbm>> -> memref<1x80x125xi32, #tpu.memory_space<hbm>>
      %dma_wait3A_35 = tpu.memref_squeeze %dma_wait3A_34 : memref<1x80x125xi32, #tpu.memory_space<hbm>> -> memref<80x125xi32, #tpu.memory_space<hbm>>
      tpu.wait_dma2 semaphore(%run_scoped3A : memref<!tpu.dma_semaphore, #tpu.memory_space<semaphore_mem>>) src(%dma_wait3A_35 : memref<80x125xi32, #tpu.memory_space<hbm>>) dst(%arg7 : memref<80x125xi32, #tpu.memory_space<vmem>>)
      tpu.yield
    }) : () -> ()
    "tpu.region"() ({
      %run_scoped3A = tpu.sem_alloc : memref<!tpu.dma_semaphore, #tpu.memory_space<semaphore_mem>>
      %dma_start3A = arith.constant 0 : i32
      %dma_start3A_22 = arith.constant 0 : i32
      %dma_start3A_23 = tpu.memref_slice %arg4[%add3A, %dma_start3A, %dma_start3A_22] : memref<32x80x125xi32, #tpu.memory_space<hbm>> -> memref<1x80x125xi32, #tpu.memory_space<hbm>>
      %dma_start3A_24 = tpu.memref_squeeze %dma_start3A_23 : memref<1x80x125xi32, #tpu.memory_space<hbm>> -> memref<80x125xi32, #tpu.memory_space<hbm>>
      %dma_start3A_25 = arith.constant 0 : i32
      %dma_start3A_26 = arith.constant 0 : i32
      %dma_start3A_27 = tpu.memref_slice %arg4[%add3A, %dma_start3A_25, %dma_start3A_26] : memref<32x80x125xi32, #tpu.memory_space<hbm>> -> memref<1x80x125xi32, #tpu.memory_space<hbm>>
      %dma_start3A_28 = tpu.memref_squeeze %dma_start3A_27 : memref<1x80x125xi32, #tpu.memory_space<hbm>> -> memref<80x125xi32, #tpu.memory_space<hbm>>
      tpu.enqueue_dma source(%dma_start3A_28 : memref<80x125xi32, #tpu.memory_space<hbm>>) target(%arg8 : memref<80x125xi32, #tpu.memory_space<vmem>>) target_semaphore(%run_scoped3A : memref<!tpu.dma_semaphore, #tpu.memory_space<semaphore_mem>>)
      %dma_wait3A = arith.constant 0 : i32
      %dma_wait3A_29 = arith.constant 0 : i32
      %dma_wait3A_30 = tpu.memref_slice %arg4[%add3A, %dma_wait3A, %dma_wait3A_29] : memref<32x80x125xi32, #tpu.memory_space<hbm>> -> memref<1x80x125xi32, #tpu.memory_space<hbm>>
      %dma_wait3A_31 = tpu.memref_squeeze %dma_wait3A_30 : memref<1x80x125xi32, #tpu.memory_space<hbm>> -> memref<80x125xi32, #tpu.memory_space<hbm>>
      %dma_wait3A_32 = arith.constant 0 : i32
      %dma_wait3A_33 = arith.constant 0 : i32
      %dma_wait3A_34 = tpu.memref_slice %arg4[%add3A, %dma_wait3A_32, %dma_wait3A_33] : memref<32x80x125xi32, #tpu.memory_space<hbm>> -> memref<1x80x125xi32, #tpu.memory_space<hbm>>
      %dma_wait3A_35 = tpu.memref_squeeze %dma_wait3A_34 : memref<1x80x125xi32, #tpu.memory_space<hbm>> -> memref<80x125xi32, #tpu.memory_space<hbm>>
      tpu.wait_dma2 semaphore(%run_scoped3A : memref<!tpu.dma_semaphore, #tpu.memory_space<semaphore_mem>>) src(%dma_wait3A_35 : memref<80x125xi32, #tpu.memory_space<hbm>>) dst(%arg8 : memref<80x125xi32, #tpu.memory_space<vmem>>)
      tpu.yield
    }) : () -> ()
    %add3A_3 = arith.constant 0 : i32
    %add3A_4 = arith.addi %mul3A_2, %add3A_3 : i32
    "tpu.region"() ({
      %run_scoped3A = tpu.sem_alloc : memref<!tpu.dma_semaphore, #tpu.memory_space<semaphore_mem>>
      %dma_start3A = arith.constant 0 : i32
      %dma_start3A_22 = tpu.memref_slice %arg10[%add3A_4, %dma_start3A] : memref<10240x128xf32, #tpu.memory_space<vmem_shared>> -> memref<128x128xf32, #tpu.memory_space<vmem_shared>>
      tpu.enqueue_dma source(%arg5 : memref<128x128xf32, #tpu.memory_space<hbm>>) target(%dma_start3A_22 : memref<128x128xf32, #tpu.memory_space<vmem_shared>>) target_semaphore(%run_scoped3A : memref<!tpu.dma_semaphore, #tpu.memory_space<semaphore_mem>>)
      %dma_wait3A = arith.constant 0 : i32
      %dma_wait3A_23 = tpu.memref_slice %arg10[%add3A_4, %dma_wait3A] : memref<10240x128xf32, #tpu.memory_space<vmem_shared>> -> memref<128x128xf32, #tpu.memory_space<vmem_shared>>
      tpu.wait_dma2 semaphore(%run_scoped3A : memref<!tpu.dma_semaphore, #tpu.memory_space<semaphore_mem>>) src(%arg5 : memref<128x128xf32, #tpu.memory_space<hbm>>) dst(%dma_wait3A_23 : memref<128x128xf32, #tpu.memory_space<vmem_shared>>)
      tpu.yield
    }) : () -> ()
    %add3A_5 = arith.constant 128 : i32
    %add3A_6 = arith.addi %mul3A_2, %add3A_5 : i32
    "tpu.region"() ({
      %run_scoped3A = tpu.sem_alloc : memref<!tpu.dma_semaphore, #tpu.memory_space<semaphore_mem>>
      %dma_start3A = arith.constant 0 : i32
      %dma_start3A_22 = tpu.memref_slice %arg10[%add3A_6, %dma_start3A] : memref<10240x128xf32, #tpu.memory_space<vmem_shared>> -> memref<128x128xf32, #tpu.memory_space<vmem_shared>>
      tpu.enqueue_dma source(%arg5 : memref<128x128xf32, #tpu.memory_space<hbm>>) target(%dma_start3A_22 : memref<128x128xf32, #tpu.memory_space<vmem_shared>>) target_semaphore(%run_scoped3A : memref<!tpu.dma_semaphore, #tpu.memory_space<semaphore_mem>>)
      %dma_wait3A = arith.constant 0 : i32
      %dma_wait3A_23 = tpu.memref_slice %arg10[%add3A_6, %dma_wait3A] : memref<10240x128xf32, #tpu.memory_space<vmem_shared>> -> memref<128x128xf32, #tpu.memory_space<vmem_shared>>
      tpu.wait_dma2 semaphore(%run_scoped3A : memref<!tpu.dma_semaphore, #tpu.memory_space<semaphore_mem>>) src(%arg5 : memref<128x128xf32, #tpu.memory_space<hbm>>) dst(%dma_wait3A_23 : memref<128x128xf32, #tpu.memory_space<vmem_shared>>)
      tpu.yield
    }) : () -> ()
    %add3A_7 = arith.constant 256 : i32
    %add3A_8 = arith.addi %mul3A_2, %add3A_7 : i32
    "tpu.region"() ({
      %run_scoped3A = tpu.sem_alloc : memref<!tpu.dma_semaphore, #tpu.memory_space<semaphore_mem>>
      %dma_start3A = arith.constant 0 : i32
      %dma_start3A_22 = tpu.memref_slice %arg10[%add3A_8, %dma_start3A] : memref<10240x128xf32, #tpu.memory_space<vmem_shared>> -> memref<128x128xf32, #tpu.memory_space<vmem_shared>>
      tpu.enqueue_dma source(%arg5 : memref<128x128xf32, #tpu.memory_space<hbm>>) target(%dma_start3A_22 : memref<128x128xf32, #tpu.memory_space<vmem_shared>>) target_semaphore(%run_scoped3A : memref<!tpu.dma_semaphore, #tpu.memory_space<semaphore_mem>>)
      %dma_wait3A = arith.constant 0 : i32
      %dma_wait3A_23 = tpu.memref_slice %arg10[%add3A_8, %dma_wait3A] : memref<10240x128xf32, #tpu.memory_space<vmem_shared>> -> memref<128x128xf32, #tpu.memory_space<vmem_shared>>
      tpu.wait_dma2 semaphore(%run_scoped3A : memref<!tpu.dma_semaphore, #tpu.memory_space<semaphore_mem>>) src(%arg5 : memref<128x128xf32, #tpu.memory_space<hbm>>) dst(%dma_wait3A_23 : memref<128x128xf32, #tpu.memory_space<vmem_shared>>)
      tpu.yield
    }) : () -> ()
    %add3A_9 = arith.constant 384 : i32
    %add3A_10 = arith.addi %mul3A_2, %add3A_9 : i32
    "tpu.region"() ({
      %run_scoped3A = tpu.sem_alloc : memref<!tpu.dma_semaphore, #tpu.memory_space<semaphore_mem>>
      %dma_start3A = arith.constant 0 : i32
      %dma_start3A_22 = tpu.memref_slice %arg10[%add3A_10, %dma_start3A] : memref<10240x128xf32, #tpu.memory_space<vmem_shared>> -> memref<128x128xf32, #tpu.memory_space<vmem_shared>>
      tpu.enqueue_dma source(%arg5 : memref<128x128xf32, #tpu.memory_space<hbm>>) target(%dma_start3A_22 : memref<128x128xf32, #tpu.memory_space<vmem_shared>>) target_semaphore(%run_scoped3A : memref<!tpu.dma_semaphore, #tpu.memory_space<semaphore_mem>>)
      %dma_wait3A = arith.constant 0 : i32
      %dma_wait3A_23 = tpu.memref_slice %arg10[%add3A_10, %dma_wait3A] : memref<10240x128xf32, #tpu.memory_space<vmem_shared>> -> memref<128x128xf32, #tpu.memory_space<vmem_shared>>
      tpu.wait_dma2 semaphore(%run_scoped3A : memref<!tpu.dma_semaphore, #tpu.memory_space<semaphore_mem>>) src(%arg5 : memref<128x128xf32, #tpu.memory_space<hbm>>) dst(%dma_wait3A_23 : memref<128x128xf32, #tpu.memory_space<vmem_shared>>)
      tpu.yield
    }) : () -> ()
    %add3A_11 = arith.constant 512 : i32
    %add3A_12 = arith.addi %mul3A_2, %add3A_11 : i32
    "tpu.region"() ({
      %run_scoped3A = tpu.sem_alloc : memref<!tpu.dma_semaphore, #tpu.memory_space<semaphore_mem>>
      %dma_start3A = arith.constant 0 : i32
      %dma_start3A_22 = tpu.memref_slice %arg10[%add3A_12, %dma_start3A] : memref<10240x128xf32, #tpu.memory_space<vmem_shared>> -> memref<128x128xf32, #tpu.memory_space<vmem_shared>>
      tpu.enqueue_dma source(%arg5 : memref<128x128xf32, #tpu.memory_space<hbm>>) target(%dma_start3A_22 : memref<128x128xf32, #tpu.memory_space<vmem_shared>>) target_semaphore(%run_scoped3A : memref<!tpu.dma_semaphore, #tpu.memory_space<semaphore_mem>>)
      %dma_wait3A = arith.constant 0 : i32
      %dma_wait3A_23 = tpu.memref_slice %arg10[%add3A_12, %dma_wait3A] : memref<10240x128xf32, #tpu.memory_space<vmem_shared>> -> memref<128x128xf32, #tpu.memory_space<vmem_shared>>
      tpu.wait_dma2 semaphore(%run_scoped3A : memref<!tpu.dma_semaphore, #tpu.memory_space<semaphore_mem>>) src(%arg5 : memref<128x128xf32, #tpu.memory_space<hbm>>) dst(%dma_wait3A_23 : memref<128x128xf32, #tpu.memory_space<vmem_shared>>)
      tpu.yield
    }) : () -> ()
    %barrier3A = arith.constant 0 : index
    tpu.barrier barrier_id(%barrier3A)
    %scan3A = arith.constant 0 : i32
    %scan3A_13 = arith.constant 0 : i32
    %scan3A_14 = arith.constant 80 : i32
    %scan3A_15 = arith.addi %scan3A_13, %scan3A_14 : i32
    %scan3A_16 = arith.constant 1 : i32
    scf.for %scan3A_22 = %scan3A_13 to %scan3A_15 step %scan3A_16  : i32 {
      %dma_start3A = arith.constant 0 : i32
      %dma_start3A_23 = tpu.memref_slice %arg7[%scan3A_22, %dma_start3A] : memref<80x125xi32, #tpu.memory_space<vmem>> -> memref<1x125xi32, #tpu.memory_space<vmem>>
      %dma_start3A_24 = tpu.memref_squeeze %dma_start3A_23 : memref<1x125xi32, #tpu.memory_space<vmem>> -> memref<125xi32, #tpu.memory_space<vmem>>
      %dma_start3A_25 = arith.constant 0 : i32
      %dma_start3A_26 = arith.constant 0 : i32
      %dma_start3A_27 = tpu.memref_slice %arg2[%dma_start3A_25, %dma_start3A_26] : memref<10240x128xf32, #tpu.memory_space<hbm>> -> memref<10240x128xf32, #tpu.memory_space<hbm>>
      tpu.enqueue_indirect_dma source(%dma_start3A_27 : memref<10240x128xf32, #tpu.memory_space<hbm>>) target(%arg9 : memref<125x128xf32, #tpu.memory_space<vmem>>) offsets(%dma_start3A_24 : memref<125xi32, #tpu.memory_space<vmem>>) semaphore(%arg11 : memref<!tpu.dma_semaphore, #tpu.memory_space<semaphore_mem>>)
      %dma_wait3A = arith.constant 0 : i32
      %dma_wait3A_28 = tpu.memref_slice %arg7[%scan3A_22, %dma_wait3A] : memref<80x125xi32, #tpu.memory_space<vmem>> -> memref<1x125xi32, #tpu.memory_space<vmem>>
      %dma_wait3A_29 = tpu.memref_squeeze %dma_wait3A_28 : memref<1x125xi32, #tpu.memory_space<vmem>> -> memref<125xi32, #tpu.memory_space<vmem>>
      %dma_wait3A_30 = arith.constant 0 : i32
      %dma_wait3A_31 = arith.constant 0 : i32
      %dma_wait3A_32 = tpu.memref_slice %arg2[%dma_wait3A_30, %dma_wait3A_31] : memref<10240x128xf32, #tpu.memory_space<hbm>> -> memref<10240x128xf32, #tpu.memory_space<hbm>>
      tpu.wait_indirect_dma semaphore(%arg11 : memref<!tpu.dma_semaphore, #tpu.memory_space<semaphore_mem>>) src(%dma_wait3A_32 : memref<10240x128xf32, #tpu.memory_space<hbm>>) dst(%arg9 : memref<125x128xf32, #tpu.memory_space<vmem>>)
      "tpu.region"() ({
        %run_scoped3A = tpu.sem_alloc : memref<!tpu.dma_semaphore, #tpu.memory_space<semaphore_mem>>
        %dma_start3A_33 = arith.constant 0 : i32
        %dma_start3A_34 = tpu.memref_slice %arg8[%scan3A_22, %dma_start3A_33] : memref<80x125xi32, #tpu.memory_space<vmem>> -> memref<1x125xi32, #tpu.memory_space<vmem>>
        %dma_start3A_35 = tpu.memref_squeeze %dma_start3A_34 : memref<1x125xi32, #tpu.memory_space<vmem>> -> memref<125xi32, #tpu.memory_space<vmem>>
        %dma_start3A_36 = arith.constant 0 : i32
        %dma_start3A_37 = arith.constant 0 : i32
        %dma_start3A_38 = tpu.memref_slice %arg10[%dma_start3A_36, %dma_start3A_37] : memref<10240x128xf32, #tpu.memory_space<vmem_shared>> -> memref<10240x128xf32, #tpu.memory_space<vmem_shared>>
        tpu.enqueue_indirect_dma source(%arg9 : memref<125x128xf32, #tpu.memory_space<vmem>>) target(%dma_start3A_38 : memref<10240x128xf32, #tpu.memory_space<vmem_shared>>) offsets(%dma_start3A_35 : memref<125xi32, #tpu.memory_space<vmem>>) semaphore(%run_scoped3A : memref<!tpu.dma_semaphore, #tpu.memory_space<semaphore_mem>>) {add = true}
        %dma_wait3A_39 = arith.constant 0 : i32
        %dma_wait3A_40 = tpu.memref_slice %arg8[%scan3A_22, %dma_wait3A_39] : memref<80x125xi32, #tpu.memory_space<vmem>> -> memref<1x125xi32, #tpu.memory_space<vmem>>
        %dma_wait3A_41 = tpu.memref_squeeze %dma_wait3A_40 : memref<1x125xi32, #tpu.memory_space<vmem>> -> memref<125xi32, #tpu.memory_space<vmem>>
        %dma_wait3A_42 = arith.constant 0 : i32
        %dma_wait3A_43 = arith.constant 0 : i32
        %dma_wait3A_44 = tpu.memref_slice %arg10[%dma_wait3A_42, %dma_wait3A_43] : memref<10240x128xf32, #tpu.memory_space<vmem_shared>> -> memref<10240x128xf32, #tpu.memory_space<vmem_shared>>
        tpu.wait_indirect_dma semaphore(%run_scoped3A : memref<!tpu.dma_semaphore, #tpu.memory_space<semaphore_mem>>) src(%arg9 : memref<125x128xf32, #tpu.memory_space<vmem>>) dst(%dma_wait3A_44 : memref<10240x128xf32, #tpu.memory_space<vmem_shared>>)
        tpu.yield
      }) : () -> ()
    }
    %scan3A_17 = arith.constant 80 : i32
    %barrier3A_18 = arith.constant 0 : index
    tpu.barrier barrier_id(%barrier3A_18)
    %mul3A_19 = arith.constant 10240 : i32
    %mul3A_20 = arith.muli %arg0, %mul3A_19 : i32
    %add3A_21 = arith.addi %mul3A_20, %mul3A_2 : i32
    "tpu.region"() ({
      %run_scoped3A = tpu.sem_alloc : memref<!tpu.dma_semaphore, #tpu.memory_space<semaphore_mem>>
      %dma_start3A = arith.constant 0 : i32
      %dma_start3A_22 = tpu.memref_slice %arg6[%add3A_21, %dma_start3A] : memref<20480x128xf32, #tpu.memory_space<hbm>> -> memref<640x128xf32, #tpu.memory_space<hbm>>
      %dma_start3A_23 = arith.constant 0 : i32
      %dma_start3A_24 = tpu.memref_slice %arg10[%mul3A_2, %dma_start3A_23] : memref<10240x128xf32, #tpu.memory_space<vmem_shared>> -> memref<640x128xf32, #tpu.memory_space<vmem_shared>>
      tpu.enqueue_dma source(%dma_start3A_24 : memref<640x128xf32, #tpu.memory_space<vmem_shared>>) target(%dma_start3A_22 : memref<640x128xf32, #tpu.memory_space<hbm>>) target_semaphore(%run_scoped3A : memref<!tpu.dma_semaphore, #tpu.memory_space<semaphore_mem>>)
      %dma_wait3A = arith.constant 0 : i32
      %dma_wait3A_25 = tpu.memref_slice %arg6[%add3A_21, %dma_wait3A] : memref<20480x128xf32, #tpu.memory_space<hbm>> -> memref<640x128xf32, #tpu.memory_space<hbm>>
      %dma_wait3A_26 = arith.constant 0 : i32
      %dma_wait3A_27 = tpu.memref_slice %arg10[%mul3A_2, %dma_wait3A_26] : memref<10240x128xf32, #tpu.memory_space<vmem_shared>> -> memref<640x128xf32, #tpu.memory_space<vmem_shared>>
      tpu.wait_dma2 semaphore(%run_scoped3A : memref<!tpu.dma_semaphore, #tpu.memory_space<semaphore_mem>>) src(%dma_wait3A_27 : memref<640x128xf32, #tpu.memory_space<vmem_shared>>) dst(%dma_wait3A_25 : memref<640x128xf32, #tpu.memory_space<hbm>>)
      tpu.yield
    }) : () -> ()
    return
  }
}

module attributes {stable_mosaic.version = 14 : i64} {
  func.func @_mm_body(%arg0: i32, %arg1: memref<1024x128xf32, #tpu.memory_space<vmem>>, %arg2: memref<128x128xf32, #tpu.memory_space<vmem>>, %arg3: memref<2x1024xf32, #tpu.memory_space<vmem>>, %arg4: memref<1024x128xf32, #tpu.memory_space<vmem>>) attributes {dimension_semantics = [#tpu.dimension_semantics<arbitrary>], iteration_bounds = array<i64: 10>, scalar_prefetch = 0 : i64, scratch_operands = 0 : i64, tpu.core_type = #tpu.core_type<tc>, window_params = [{transform_indices = @transform_0, window_bounds = array<i64: 1024, 128>}, {pipeline_mode = #tpu.pipeline_mode<synchronous>, transform_indices = @transform_1, window_bounds = array<i64: 128, 128>}, {transform_indices = @transform_2, window_bounds = array<i64: 2, 1024>}, {transform_indices = @transform_3, window_bounds = array<i64: 1024, 128>}]} {
    %get3A = arith.constant 0 : index
    %get3A_0 = arith.constant 0 : index
    %get3A_1 = vector.load %arg1[%get3A, %get3A_0] : memref<1024x128xf32, #tpu.memory_space<vmem>>, vector<1024x128xf32>
    %get3A_2 = arith.constant 0 : index
    %get3A_3 = arith.constant 0 : index
    %get3A_4 = vector.load %arg2[%get3A_2, %get3A_3] : memref<128x128xf32, #tpu.memory_space<vmem>>, vector<128x128xf32>
    %dot_general3A = arith.constant dense<0.000000e+00> : vector<1024x128xf32>
    %dot_general3A_5 = tpu.matmul %get3A_1, %get3A_4, %dot_general3A {dimension_numbers = #tpu.dot_dimension_numbers<[1], [0], [0], [1], [0, 0, 1, 1], [], []>, transpose_lhs_hint = false} : vector<1024x128xf32>, vector<128x128xf32>, vector<1024x128xf32> -> vector<1024x128xf32>
    %get3A_6 = arith.constant 0 : index
    %get3A_7 = arith.constant 0 : index
    %get3A_8 = vector.load %arg3[%get3A_6, %get3A_7] : memref<2x1024xf32, #tpu.memory_space<vmem>>, vector<2x1024xf32>
    %slice3A = vector.extract_strided_slice %get3A_8 {offsets = [0, 0], sizes = [1, 1024], strides = [1, 1]} : vector<2x1024xf32> to vector<1x1024xf32>
    %squeeze3A = vector.shape_cast %slice3A : vector<1x1024xf32> to vector<1024xf32>
    %slice3A_9 = vector.extract_strided_slice %get3A_8 {offsets = [1, 0], sizes = [1, 1024], strides = [1, 1]} : vector<2x1024xf32> to vector<1x1024xf32>
    %squeeze3A_10 = vector.shape_cast %slice3A_9 : vector<1x1024xf32> to vector<1024xf32>
    %add3A = arith.addf %squeeze3A, %squeeze3A_10 : vector<1024xf32>
    %add3A_11 = arith.constant 1.000000e+00 : f32
    %add3A_12 = vector.broadcast %add3A_11 : f32 to vector<1024xf32>
    %add3A_13 = arith.addf %add3A, %add3A_12 : vector<1024xf32>
    %rsqrt3A = math.rsqrt %add3A_13 : vector<1024xf32>
    %broadcast_in_dim3A = vector.shape_cast %rsqrt3A : vector<1024xf32> to vector<1024x1xf32>
    %mul3A = vector.broadcast %broadcast_in_dim3A : vector<1024x1xf32> to vector<1024x128xf32>
    %mul3A_14 = arith.mulf %dot_general3A_5, %mul3A : vector<1024x128xf32>
    %swap3A = arith.constant 0 : index
    %swap3A_15 = arith.constant 0 : index
    %swap3A_16 = vector.load %arg4[%swap3A, %swap3A_15] : memref<1024x128xf32, #tpu.memory_space<vmem>>, vector<1024x128xf32>
    tpu.vector_store %arg4[%swap3A, %swap3A_15], %mul3A_14 {strides = array<i32>} : memref<1024x128xf32, #tpu.memory_space<vmem>>, vector<1024x128xf32>,
    return
  }
  func.func @transform_0(%arg0: i32) -> (i32, i32) {
    %c0_i32 = arith.constant 0 : i32
    %c0_i32_0 = arith.constant 0 : i32
    return %arg0, %c0_i32 : i32, i32
  }
  func.func @transform_1(%arg0: i32) -> (i32, i32) {
    %c0_i32 = arith.constant 0 : i32
    %c0_i32_0 = arith.constant 0 : i32
    %c0_i32_1 = arith.constant 0 : i32
    return %c0_i32, %c0_i32_0 : i32, i32
  }
  func.func @transform_2(%arg0: i32) -> (i32, i32) {
    %c0_i32 = arith.constant 0 : i32
    %c0_i32_0 = arith.constant 0 : i32
    return %c0_i32, %arg0 : i32, i32
  }
  func.func @transform_3(%arg0: i32) -> (i32, i32) {
    %c0_i32 = arith.constant 0 : i32
    %c0_i32_0 = arith.constant 0 : i32
    return %arg0, %c0_i32 : i32, i32
  }
}

module attributes {stable_mosaic.version = 14 : i64} {
  func.func @_ep_body(%arg0: i32, %arg1: memref<2x1024x128xf32, #tpu.memory_space<vmem>>, %arg2: memref<1024x128xf32, #tpu.memory_space<vmem>>, %arg3: memref<2x1024xf32, #tpu.memory_space<vmem>>, %arg4: memref<1x128xf32, #tpu.memory_space<vmem>>, %arg5: memref<1024x128xf32, #tpu.memory_space<vmem>>) attributes {dimension_semantics = [#tpu.dimension_semantics<arbitrary>], iteration_bounds = array<i64: 10>, scalar_prefetch = 0 : i64, scratch_operands = 0 : i64, tpu.core_type = #tpu.core_type<tc>, window_params = [{transform_indices = @transform_0, window_bounds = array<i64: 2, 1024, 128>}, {transform_indices = @transform_1, window_bounds = array<i64: 1024, 128>}, {transform_indices = @transform_2, window_bounds = array<i64: 2, 1024>}, {pipeline_mode = #tpu.pipeline_mode<synchronous>, transform_indices = @transform_3, window_bounds = array<i64: 1, 128>}, {transform_indices = @transform_4, window_bounds = array<i64: 1024, 128>}]} {
    %get3A = arith.constant 0 : index
    %get3A_0 = arith.constant 0 : index
    %get3A_1 = arith.constant 0 : index
    %get3A_2 = vector.load %arg1[%get3A, %get3A_0, %get3A_1] : memref<2x1024x128xf32, #tpu.memory_space<vmem>>, vector<2x1024x128xf32>
    %get3A_3 = arith.constant 0 : index
    %get3A_4 = arith.constant 0 : index
    %get3A_5 = vector.load %arg2[%get3A_3, %get3A_4] : memref<1024x128xf32, #tpu.memory_space<vmem>>, vector<1024x128xf32>
    %get3A_6 = arith.constant 0 : index
    %get3A_7 = arith.constant 0 : index
    %get3A_8 = vector.load %arg3[%get3A_6, %get3A_7] : memref<2x1024xf32, #tpu.memory_space<vmem>>, vector<2x1024xf32>
    %slice3A = vector.extract_strided_slice %get3A_8 {offsets = [0, 0], sizes = [1, 1024], strides = [1, 1]} : vector<2x1024xf32> to vector<1x1024xf32>
    %squeeze3A = vector.shape_cast %slice3A : vector<1x1024xf32> to vector<1024xf32>
    %slice3A_9 = vector.extract_strided_slice %get3A_8 {offsets = [1, 0], sizes = [1, 1024], strides = [1, 1]} : vector<2x1024xf32> to vector<1x1024xf32>
    %squeeze3A_10 = vector.shape_cast %slice3A_9 : vector<1x1024xf32> to vector<1024xf32>
    %add3A = arith.addf %squeeze3A, %squeeze3A_10 : vector<1024xf32>
    %add3A_11 = arith.constant 1.000000e+00 : f32
    %add3A_12 = vector.broadcast %add3A_11 : f32 to vector<1024xf32>
    %add3A_13 = arith.addf %add3A, %add3A_12 : vector<1024xf32>
    %rsqrt3A = math.rsqrt %add3A_13 : vector<1024xf32>
    %broadcast_in_dim3A = vector.shape_cast %rsqrt3A : vector<1024xf32> to vector<1024x1xf32>
    %slice3A_14 = vector.extract_strided_slice %get3A_2 {offsets = [0, 0, 0], sizes = [1, 1024, 128], strides = [1, 1, 1]} : vector<2x1024x128xf32> to vector<1x1024x128xf32>
    %squeeze3A_15 = vector.shape_cast %slice3A_14 : vector<1x1024x128xf32> to vector<1024x128xf32>
    %slice3A_16 = vector.extract_strided_slice %get3A_2 {offsets = [1, 0, 0], sizes = [1, 1024, 128], strides = [1, 1, 1]} : vector<2x1024x128xf32> to vector<1x1024x128xf32>
    %squeeze3A_17 = vector.shape_cast %slice3A_16 : vector<1x1024x128xf32> to vector<1024x128xf32>
    %add3A_18 = arith.addf %squeeze3A_15, %squeeze3A_17 : vector<1024x128xf32>
    %add3A_19 = arith.addf %add3A_18, %get3A_5 : vector<1024x128xf32>
    %mul3A = vector.broadcast %broadcast_in_dim3A : vector<1024x1xf32> to vector<1024x128xf32>
    %mul3A_20 = arith.mulf %mul3A, %add3A_19 : vector<1024x128xf32>
    %get3A_21 = arith.constant 0 : index
    %get3A_22 = arith.constant 0 : index
    %get3A_23 = vector.load %arg4[%get3A_21, %get3A_22] : memref<1x128xf32, #tpu.memory_space<vmem>>, vector<1x128xf32>
    %add3A_24 = vector.broadcast %get3A_23 : vector<1x128xf32> to vector<1024x128xf32>
    %add3A_25 = arith.addf %mul3A_20, %add3A_24 : vector<1024x128xf32>
    %swap3A = arith.constant 0 : index
    %swap3A_26 = arith.constant 0 : index
    %swap3A_27 = vector.load %arg5[%swap3A, %swap3A_26] : memref<1024x128xf32, #tpu.memory_space<vmem>>, vector<1024x128xf32>
    tpu.vector_store %arg5[%swap3A, %swap3A_26], %add3A_25 {strides = array<i32>} : memref<1024x128xf32, #tpu.memory_space<vmem>>, vector<1024x128xf32>,
    return
  }
  func.func @transform_0(%arg0: i32) -> (i32, i32, i32) {
    %c0_i32 = arith.constant 0 : i32
    %c0_i32_0 = arith.constant 0 : i32
    %c0_i32_1 = arith.constant 0 : i32
    return %c0_i32, %arg0, %c0_i32_0 : i32, i32, i32
  }
  func.func @transform_1(%arg0: i32) -> (i32, i32) {
    %c0_i32 = arith.constant 0 : i32
    %c0_i32_0 = arith.constant 0 : i32
    return %arg0, %c0_i32 : i32, i32
  }
  func.func @transform_2(%arg0: i32) -> (i32, i32) {
    %c0_i32 = arith.constant 0 : i32
    %c0_i32_0 = arith.constant 0 : i32
    return %c0_i32, %arg0 : i32, i32
  }
  func.func @transform_3(%arg0: i32) -> (i32, i32) {
    %c0_i32 = arith.constant 0 : i32
    %c0_i32_0 = arith.constant 0 : i32
    %c0_i32_1 = arith.constant 0 : i32
    return %c0_i32, %c0_i32_0 : i32, i32
  }
  func.func @transform_4(%arg0: i32) -> (i32, i32) {
    %c0_i32 = arith.constant 0 : i32
    %c0_i32_0 = arith.constant 0 : i32
    return %arg0, %c0_i32 : i32, i32
  }
}

</mosaic_0001>

<sc_bundles>
// kernel: kernel.6.cloned.1.call-start
scs
__scs_entry_jumppad:
0x0: {  	(pc) =	sbr.rel $0x88, $3  }
0x1: {  	(tag) =	ssettag $0x0;
	lr =	simm.s32 $0x1  }
0x2: {  	[smem:$0x3F9D] =	sst lr;
	_ =	strace $0xD0000000  }
0x3: {  	_ = 	snop  }
0x4: {  	_ = 	snop  }
0x5: {  	_ = 	snop  }
0x6: {  	_ = 	snop  }
0x7: {  	_ = 	snop  }
__scs_overlays_trampoline_lowered:
0x8: {  	[smem:$0x3FAC] =	sst s0  }
0x9: {  	[smem:$0x3FAD] =	sst s1  }
0xa: {  	[smem:$0x3FAE] =	sst s2  }
0xb: {  	[smem:$0x3FAF] =	sst s3  }
0xc: {  	[smem:$0x3FB0] =	sst s4  }
0xd: {  	[smem:$0x3FB1] =	sst s5  }
0xe: {  	[smem:$0x3FB2] =	sst s6  }
0xf: {  	[smem:$0x3FB3] =	sst s7  }
0x10: {  	[smem:$0x3FB4] =	sst s8  }
0x11: {  	[smem:$0x3FB5] =	sst s9;
	s0 =	simm.s32 @!p0 $0x0  }
0x12: {  	s1 =	sld [smem:$0x3F9B];
	s0 =	simm.s32 @p0 $0x1  }
0x13: {  	[smem:$0x3FB6] =	sst s0;
	s0 =	simm.s32 @!p1 $0x0  }
0x14: {  	s2 =	sld [smem:$0x3F9A];
	s0 =	simm.s32 @p1 $0x1  }
0x15: {  	[smem:$0x3FB7] =	sst s0;
	s0 =	simm.s32 @!p2 $0x0  }
0x16: {  	s3 =	sld [smem:$0x3FDB];
	s0 =	simm.s32 @p2 $0x1  }
0x17: {  	s4 =	simm.s32 $0x1BF5;
	[smem:$0x3FB9] =	sst s0  }
0x18: {  	s0 =	sld [smem:$0x3F9C];
	_ =	swait.ge [sflag:s4], $0x0  }
0x19: {  	s7 =	sld [smem:$0x3F9D]  }
0x1a: {  	s8 =	sadd.s32 $0xFFFFE003, lr  }
0x1b: {  	s9 =	sadd.s32 $0xFFFFFEF7, lr;
	s5 =	simm.s32 $0xFFFFFFFF;
	p2 =	slt.u32 s8, $0xFFFFF086  }
0x1c: {  	p1 =	slt.u32 s9, $0xF7A;
	s5 =	simm.s32 @!p2 $0x0  }
0x1d: {  	s5 =	simm.s32 @p1 $0x1;
	p0 =	seq.s32 s7, s2  }
0x1e: {  	s7 =	smul.u32 @!p0 $0xF7A, s2;
	p2 =	seq.s32 @!p0 s5, $0x0  }
0x1f: {  	s9 =	smul.u32 $0xF7A, s1;
	s8 =	simm.s32 @!p0 $0x1BF5;
	p2 =	por !p2, p0  }
0x20: {  	[sflag:s8] =	ssyncset.s32 @!p0 $0xFFFFF086;
	s6 =	sadd.s32 @!p0 s3, s7;
	s7 =	simm.s32 @!p0 $0x108  }
0x21: {  	s3 =	sadd.s32 s3, s9;
	s6 =	sadd.s32 @!p0 $0x88, s6;
	s7 =	simm.s32 @p2 $0x1082  }
0x22: {  	[simem:s7], [sflag:s8] =	dma.local @!p0 [hbm:s6], $0xF7A  }
0x23: {  	s9 =	sor.u32 $0xD0000000, s2;
	s6 =	simm.s32 $0x108;
	_ =	swait.ge @!p0 [sflag:s8], $0x0  }
0x24: {  	s3 =	sadd.s32 $0x88, s3;
	s6 =	simm.s32 @!p1 $0x1082;
	[sflag:s4] =	ssyncset.s32 $0xFFFFF086  }
0x25: {  	[simem:s6], [sflag:s4] =	dma.local [hbm:s3], $0xF7A  }
0x26: {  	[smem:$0x3F9D] =	sst s1;
	(tag) =	ssettag s2;
	_ =	strace s9  }
0x27: {  	s1 =	sld [smem:$0x3FAD]  }
0x28: {  	s2 =	sld [smem:$0x3FAE]  }
0x29: {  	s4 =	sld [smem:$0x3FB0]  }
0x2a: {  	p0 =	seq.s32 s5, $0x0;
	s5 =	sld [smem:$0x3FB1]  }
0x2b: {  	s6 =	sld [smem:$0x3FB2]  }
0x2c: {  	s7 =	sld [smem:$0x3FB3]  }
0x2d: {  	s3 =	simm.s32 $0x108;
	s8 =	sld [smem:$0x3FB4]  }
0x2e: {  	s3 =	simm.s32 @!p0 $0x1082;
	s9 =	sld [smem:$0x3FB5]  }
0x2f: {  	lr =	sadd.s32 s0, s3;
	s0 =	sld [smem:$0x3FAC]  }
0x30: {  	s3 =	sld [smem:$0x3FAF]  }
0x31: {  	[smem:$0x3FB8] =	sst s10  }
0x32: {  	s10 =	sld [smem:$0x3FB6];
	_ =	sdelay $0x3  }
0x33: {  	p0 =	seq.s32 s10, $0x1;
	s10 =	sld [smem:$0x3FB8];
	_ =	sdelay $0x3  }
0x34: {  	[smem:$0x3FB8] =	sst s10  }
0x35: {  	s10 =	sld [smem:$0x3FB7];
	_ =	sdelay $0x3  }
0x36: {  	p1 =	seq.s32 s10, $0x1;
	s10 =	sld [smem:$0x3FB8];
	_ =	sdelay $0x3  }
0x37: {  	[smem:$0x3FB8] =	sst s10  }
0x38: {  	s10 =	sld [smem:$0x3FB9]  }
0x39: {  	_ = 	snop;
	(pc) =	sbr.ind lr, $3  }
0x3a: {  	_ = 	snop  }
0x3b: {  	_ = 	snop  }
0x3c: {  	p2 =	seq.s32 s10, $0x1;
	s10 =	sld [smem:$0x3FB8]  }
0x3d: {  	_ =	shalt  }
0x3e: {  	_ =	shalt  }
0x3f: {  	_ =	shalt  }
0x40: {  	_ =	shalt  }
0x41: {  	_ =	shalt  }
0x42: {  	_ =	shalt  }
0x43: {  	_ =	shalt  }
0x44: {  	_ =	shalt  }
0x45: {  	_ =	shalt  }
0x46: {  	_ =	shalt  }
0x47: {  	_ =	shalt  }
0x48: {  	_ =	shalt  }
0x49: {  	_ =	shalt  }
0x4a: {  	_ =	shalt  }
0x4b: {  	_ =	shalt  }
0x4c: {  	_ =	shalt  }
0x4d: {  	_ =	shalt  }
0x4e: {  	_ =	shalt  }
0x4f: {  	_ =	shalt  }
0x50: {  	_ =	shalt  }
0x51: {  	_ =	shalt  }
0x52: {  	_ =	shalt  }
0x53: {  	_ =	shalt  }
0x54: {  	_ =	shalt  }
0x55: {  	_ =	shalt  }
0x56: {  	_ =	shalt  }
0x57: {  	_ =	shalt  }
0x58: {  	_ =	shalt  }
0x59: {  	_ =	shalt  }
0x5a: {  	_ =	shalt  }
0x5b: {  	_ =	shalt  }
0x5c: {  	_ =	shalt  }
0x5d: {  	_ =	shalt  }
0x5e: {  	_ =	shalt  }
0x5f: {  	_ =	shalt  }
0x60: {  	_ =	shalt  }
0x61: {  	_ =	shalt  }
0x62: {  	_ =	shalt  }
0x63: {  	_ =	shalt  }
0x64: {  	_ =	shalt  }
0x65: {  	_ =	shalt  }
0x66: {  	_ =	shalt  }
0x67: {  	_ =	shalt  }
0x68: {  	_ =	shalt  }
0x69: {  	_ =	shalt  }
0x6a: {  	_ =	shalt  }
0x6b: {  	_ =	shalt  }
0x6c: {  	_ =	shalt  }
0x6d: {  	_ =	shalt  }
0x6e: {  	_ =	shalt  }
0x6f: {  	_ =	shalt  }
0x70: {  	_ =	shalt  }
0x71: {  	_ =	shalt  }
0x72: {  	_ =	shalt  }
0x73: {  	_ =	shalt  }
0x74: {  	_ =	shalt  }
0x75: {  	_ =	shalt  }
0x76: {  	_ =	shalt  }
0x77: {  	_ =	shalt  }
0x78: {  	_ =	shalt  }
0x79: {  	_ =	shalt  }
0x7a: {  	_ =	shalt  }
0x7b: {  	_ =	shalt  }
0x7c: {  	_ =	shalt  }
0x7d: {  	_ =	shalt  }
0x7e: {  	_ =	shalt  }
0x7f: {  	_ =	shalt  }
0x80: {  	_ =	shalt  }
0x81: {  	_ =	shalt  }
0x82: {  	_ =	shalt  }
0x83: {  	_ =	shalt  }
0x84: {  	_ =	shalt  }
0x85: {  	_ =	shalt  }
0x86: {  	_ =	shalt  }
0x87: {  	_ =	shalt  }
.Lfunc_end0:
.L_simem_size_0:
called_computation_lowered:
.L_overlay_start_0:
0x88: {  	s2 =	sld [smem:$0x3FD9]  }
0x89: {  	s3 =	sld [smem:$0x3FFE];
	_ =	sdelay $0x1  }
0x8a: {  	s1 =	srdreg.scid  }
0x8b: {  	s0 =	sand.u32 $0x1, s1  }
0x8c: {  	s17 =	sshll.u32 s0, $0xA;
	s2 =	sadd.s32 s3, s2  }
0x8d: {  	s2 =	sadd.s32 s2, s17  }
0x8e: {  	[smem:$0x3FC4] =	sst s2  }
0x8f: {  	_ = 	snop  }
0x90: {  	s2 =	sld [smem:$0x3FD0];
	(tm) =	ssettm $0x1  }
0x91: {  	s18 =	sld [smem:$0x3FFB];
	_ =	sdelay $0x3  }
0x92: {  	_ =	strace s18  }
0x93: {  	s3 =	sld [smem:$0x3FFC];
	_ =	sdelay $0x3  }
0x94: {  	_ =	strace s3  }
0x95: {  	s3 =	sld [smem:$0x3FFD];
	_ =	sdelay $0x3  }
0x96: {  	_ =	strace s3  }
0x97: {  	_ =	strace $0x8FFFFFFF  }
0x98: {  	s19 =	sld [smem:$0x3FDB];
	_ =	sdelay $0x1  }
0x99: {  	s4 =	simm.s32 $_scs_section_size  }
0x9a: {  	s5 =	simm.s32 $_size__tile_overlayer_lowered;
	s6 =	simm.s32 $_tile_overlayer_lowered  }
0x9b: {  	s22 =	simm.s32 $0x1BFF;
	s21 =	sshll.u32 s6, $0x1;
	s3 =	sadd.s32 s4, s19  }
0x9c: {  	s7 =	simm.s32 $0x0;
	s20 =	sshll.u32 s5, $0x1;
	s5 =	sadd.s32 s21, s3  }
0x9d: {  	[timem:s7], [sflag:s22] =	dma.local [hbm:s5], s20  }
0x9e: {  	_ =	swait.ge [sflag:s22], s20  }
0x9f: {  	s4 =	ssub.s32 $0x0, s20;
	[sflag:s22] =	ssyncset.done $0x0  }
0xa0: {  	[sflag:s22] =	ssyncadd.s32 s4;
	_ =	sdelay $0x1  }
0xa1: {  	s23 =	simm.s32 $0x1B8B  }
0xa2: {  	_ =	swait.ge [sflag:s23], $0x1  }
0xa3: {  	[sflag:s23] =	ssyncset.done $0x0  }
0xa4: {  	s25 =	simm.s32 $0x1B8E;
	s24 =	sld [smem:$0x3FFE];
	[sflag:s23] =	ssyncadd.s32 $0xFFFFFFFF  }
0xa5: {  	s26 =	simm.s32 $execute0_lowered;
	[smem:$0x3FD2] =	sst s25  }
0xa6: {  	s5 =	sshll.u32 s26, $0x1;
	_ =	strace $0x80000046;
	[dreg:$0x1] =	wrdreg $0xFFFFFFFF  }
0xa7: {  	s28 =	simm.s32 $_size_execute0_lowered;
	s3 =	sadd.s32 s3, s5;
	[dreg:$0x0] =	wrdreg $0x0  }
0xa8: {  	s5 =	sshll.u32 s28, $0x1;
	[dreg:$0x2] =	wrdreg s3  }
0xa9: {  	[dreg:$0x3] =	wrdreg s5  }
0xaa: {  	[dreg:$0x4] =	wrdreg $0xC0  }
0xab: {  	_ =	task [dreg:s7], $0x5FFFF  }
0xac: {  	[dreg:$0x1] =	wrdreg $0xFFFFFFFF  }
0xad: {  	[dreg:$0x0] =	wrdreg $0x60  }
0xae: {  	[dreg:$0x2] =	wrdreg s2  }
0xaf: {  	[dreg:$0x3] =	wrdreg s24  }
0xb0: {  	[dreg:$0x4] =	wrdreg $0x2B000  }
0xb1: {  	[dreg:$0x5] =	wrdreg $0x9  }
0xb2: {  	_ =	task.clear_ibuf [dreg:s7], $0x6FFFF;
	_ =	strace $0x90000046  }
0xb3: {  	s29 =	simm.s32 $0x9;
	_ =	strace $0x80000048  }
0xb4: {  	_ =	swait.ge [sflag:s29], $0x1  }
0xb5: {  	[sflag:s29] =	ssyncadd.s32 $0xFFFFFFFF  }
0xb6: {  	_ =	strace $0x90000048  }
0xb7: {  	_ =	sfence  }
0xb8: {  	s30 =	sld [smem:$0x0];
	_ =	sdelay $0x2  }
0xb9: {  	s31 =	sshll.u32 s1, $0xD;
	s1 =	sshrl.u32 s1, $0x2  }
0xba: {  	s3 =	sand.u32 $0x4000, s31;
	s1 =	sadd.s32 s1, s30  }
0xbb: {  	s0 =	sor.u32 s3, s0;
	s1 =	sshll.u32 s1, $0x11  }
0xbc: {  	s0 =	sor.u32 s1, s0  }
0xbd: {  	s0 =	sadd.s32 $0x8F2B, s0  }
0xbe: {  	[sflag:s0] =	ssyncadd.remote.s32 $0x1  }
0xbf: {  	_ =	sfence.sel $0xFFFF  }
0xc0: {  	[dreg:$0x0] =	wrdreg $0xFFFFFFFF;
	(pc) =	sbr.abs _section_cstart, $3  }
0xc1: {  	[dreg:$0x1] =	wrdreg $0xFFFFFFFF  }
0xc2: {  	_ =	task.clear_ibuf [dreg:s7], $0x2FFFF;
	_ =	strace $0x9FFFFFFF  }
0xc3: {  	(tm) =	ssettm $0x7FFFFFFF  }
tec
execute0_lowered:
.L_overlay_start_1:
0x0: {  	(tag) =	ssettag $0x1  }
0x1: {  	s5 =	rddreg [dreg:$0x0]  }
0x2: {  	s6 =	rddreg [dreg:$0x1]  }
0x3: {  	s2 =	rddreg [dreg:$0x2]  }
0x4: {  	s0 =	rddreg [dreg:$0x3]  }
0x5: {  	s4 =	srdreg.scid;
	s1 =	stileid.u32;
	s3 =	simm.s32 $0x0  }
0x6: {  	s12 =	simm.s32 $0x7D;
	s15 =	simm.s32 $0x0;
	s4 =	sand.u32 $0x1, s4  }
0x7: {  	s7 =	smul.u32 $0x280, s1;
	[smem:$0x7FF] =	sst s3;
	s13 =	sshll.u32 s1, $0x6  }
0x8: {  	s8 =	smul.u32 $0x2800, s4;
	_ =	strace $0x80000047;
	s9 =	sshll.u32 s4, $0x4  }
0x9: {  	s10 =	ssub.s32 $0x2, s4;
	s4 =	sadd.s32 $0x1800, s6;
	s30 =	sor.u32 s1, s9  }
0xa: {  	s31 =	sshrl.u32 s10, $0x1;
	s8 =	sadd.s32 s7, s8;
	s11 =	smul.u32 $0x500, s30  }
0xb: {  	s13 =	sor.u32 $0x1C01, s13;
	s9 =	ssub.s32 s10, s31;
	s8 =	sshrl.u32 s8, $0x3  }
0xc: {  	s10 =	simm.s32 $0x2800;
	s8 =	sadd.s32 s8, s6;
	s5 =	sadd.s32 s5, s11  }
0xd: {  	s6 =	sadd.s32 s7, s2;
	s11 =	simm.s32 $0x2880;
	s7 =	sadd.s32 $0x1A00, s8  }
0xe: {  	v0 =	vimm.f32 $0.0e+00;
	s8 =	smax.u32 s9, $0x1;
	s9 =	simm.s32 $0x1;
	s14 =	sshrl.u32 s6, $0x3  }
.LBB2_1:
0xf: {  	[tilespmem:s3], [sflag:$0x1] =	stream.linear.gather [hbm4b:s5+s3], $0x2800, $0x38;
	[tilespmem:$0x2D80] =	vst v63  }
0x10: {  	_ =	swait.ge [sflag:s9], $0x2800  }
0x11: {  	[sflag:s9] =	ssyncset.done $0x0  }
0x12: {  	[sflag:s9] =	ssyncadd.s32 $0xFFFFD800  }
0x13: {  	[tilespmem:s10], [sflag:$0x1] =	stream.linear.gather [hbm4b:s4+s3], $0x80, $0x38;
	[tilespmem:$0x2D80] =	vst v63  }
0x14: {  	_ =	swait.ge [sflag:s9], $0x80  }
0x15: {  	[sflag:s9] =	ssyncset.done $0x0  }
0x16: {  	[sflag:s9] =	ssyncadd.s32 $0xFFFFFF80  }
0x17: {  	[tilespmem:$0x2880] =	vst v0  }
0x18: {  	[tilespmem:$0x2890] =	vst v0  }
0x19: {  	[tilespmem:$0x28A0] =	vst v0  }
0x1a: {  	[tilespmem:$0x28B0] =	vst v0  }
0x1b: {  	[tilespmem:$0x28C0] =	vst v0  }
0x1c: {  	[tilespmem:$0x28D0] =	vst v0  }
0x1d: {  	[tilespmem:$0x28E0] =	vst v0  }
0x1e: {  	[tilespmem:$0x28F0] =	vst v0  }
0x1f: {  	[tilespmem:$0x2900] =	vst v0  }
0x20: {  	[tilespmem:$0x2910] =	vst v0  }
0x21: {  	[tilespmem:$0x2920] =	vst v0  }
0x22: {  	[tilespmem:$0x2930] =	vst v0  }
0x23: {  	[tilespmem:$0x2940] =	vst v0  }
0x24: {  	[tilespmem:$0x2950] =	vst v0  }
0x25: {  	[tilespmem:$0x2960] =	vst v0  }
0x26: {  	[tilespmem:$0x2970] =	vst v0  }
0x27: {  	[tilespmem:$0x2980] =	vst v0  }
0x28: {  	[tilespmem:$0x2990] =	vst v0  }
0x29: {  	[tilespmem:$0x29A0] =	vst v0  }
0x2a: {  	[tilespmem:$0x29B0] =	vst v0  }
0x2b: {  	[tilespmem:$0x29C0] =	vst v0  }
0x2c: {  	[tilespmem:$0x29D0] =	vst v0  }
0x2d: {  	[tilespmem:$0x29E0] =	vst v0  }
0x2e: {  	[tilespmem:$0x29F0] =	vst v0  }
0x2f: {  	[tilespmem:$0x2A00] =	vst v0  }
0x30: {  	[tilespmem:$0x2A10] =	vst v0  }
0x31: {  	[tilespmem:$0x2A20] =	vst v0  }
0x32: {  	[tilespmem:$0x2A30] =	vst v0  }
0x33: {  	[tilespmem:$0x2A40] =	vst v0  }
0x34: {  	[tilespmem:$0x2A50] =	vst v0  }
0x35: {  	[tilespmem:$0x2A60] =	vst v0  }
0x36: {  	[tilespmem:$0x2A70] =	vst v0  }
0x37: {  	[tilespmem:$0x2A80] =	vst v0  }
0x38: {  	[tilespmem:$0x2A90] =	vst v0  }
0x39: {  	[tilespmem:$0x2AA0] =	vst v0  }
0x3a: {  	[tilespmem:$0x2AB0] =	vst v0  }
0x3b: {  	[tilespmem:$0x2AC0] =	vst v0  }
0x3c: {  	[tilespmem:$0x2AD0] =	vst v0  }
0x3d: {  	[tilespmem:$0x2AE0] =	vst v0  }
0x3e: {  	[tilespmem:$0x2AF0] =	vst v0  }
0x3f: {  	[spmem:s6] =	stream.linear.scatter [tilespmem:s11], [sflag:$0x1], $0x280, $0x38;
	[tilespmem:$0x2D80] =	vst v63  }
0x40: {  	_ =	swait.ge [sflag:s9], $0x280  }
0x41: {  	[sflag:s9] =	ssyncset.done $0x0  }
0x42: {  	[sflag:s9] =	ssyncadd.s32 $0xFFFFFD80  }
0x43: {  	s16 =	simm.s32 $0x0;
	[bflag:$0x0] =	sbarrier.arrive $0xFFFF  }
0x44: {  	[spmem:s2] =	stream.indirect.scatter.add.f32 [tilespmem:s10], [sflag:$0x1], $0x1, s16, s12, $0xb8;
	[tilespmem:$0x2D80] =	vst v63  }
0x45: {  	_ =	swait.ge [sflag:s9], $0x7D  }
0x46: {  	s16 =	simm.s32 $0x200;
	[sflag:s9] =	ssyncset.done $0x0  }
.LBB2_2:
0x47: {  	s17 =	sshra.s32 s16, $0x2;
	[sflag:s9] =	ssyncadd.s32 $0xFFFFFF83;
	p0 =	sne.s32 s16, $0x9E00  }
0x48: {  	[spmem:s2] =	stream.indirect.scatter.add.f32 [tilespmem:s10], [sflag:$0x1], $0x1, s17, s12, $0xb8;
	[tilespmem:$0x2D80] =	vst v63  }
.Ltmp0:
0x49: {  	_ = 	snop;
	(pc) =	sbr.rel @p0 .LBB2_2-.Ltmp0, $4  }
0x4a: {  	_ = 	snop  }
0x4b: {  	s16 =	sadd.s32 $0x200, s16  }
0x4c: {  	_ =	swait.ge [sflag:s9], $0x7D  }
0x4d: {  	[sflag:s9] =	ssyncset.done $0x0  }
0x4e: {  	s15 =	sadd.s32 $0x1, s15  }
0x4f: {  	[sflag:s9] =	ssyncadd.s32 $0xFFFFFF83;
	p0 =	sne.s32 s15, s8  }
.Ltmp1:
0x50: {  	[bflag:$0x0] =	sbarrier.arrive $0xFFFF;
	(pc) =	sbr.rel @p0 .LBB2_1-.Ltmp1, $4  }
0x51: {  	[hbm:s7], [sflag:s13] =	dma.local [spmem:s14], $0x50  }
0x52: {  	_ =	swait.ge [sflag:s9], $0x50  }
0x53: {  	[sflag:s9] =	ssyncset.done $0x0  }
0x54: {  	[sflag:s9] =	ssyncadd.s32 $0xFFFFFFB0  }
0x55: {  	_ =	sfence.sel $0x180000  }
0x56: {  	[bflag:$0x0] =	sbarrier.arrive $0xFFFF  }
0x57: {  	p0 =	sne.s32 s1, $0x0;
	_ =	strace $0x90000047  }
0x58: {  	s0 =	sadd.s32 @!p0 $0x100000, s0;
	[bflag:$0x2] =	sbarrier.arrive $0xFFFF  }
0x59: {  	[sflag:s0] =	ssyncadd.tile.s32 @!p0 $0x1;
	_ =	shalt  }
.Lfunc_end2:
_tile_overlayer_lowered:
.L_overlay_start_2:
0x5a: {  	(tag) =	ssettag $0x2  }
0x5b: {  	s0 =	rddreg [dreg:$0x0];
	s2 =	stileid.u32  }
0x5c: {  	s1 =	rddreg [dreg:$0x1];
	p0 =	sne.s32 s2, $0x0  }
0x5d: {  	s3 =	rddreg [dreg:$0x2];
	[bflag:$0x3] =	sbarrier.arrive $0xFFFF;
	s2 =	simm.s32 @!p0 $0x1C01  }
0x5e: {  	[timem:s3], [sflag:s2] =	dma.local @!p0 [hbm:s0], s1  }
0x5f: {  	s0 =	simm.s32 @!p0 $0x1  }
0x60: {  	_ =	swait.ge @!p0 [sflag:s0], s1  }
0x61: {  	s1 =	ssub.s32 @!p0 $0x0, s1;
	[sflag:s0] =	ssyncset.done @!p0 $0x0  }
0x62: {  	[sflag:s0] =	ssyncadd.s32 @!p0 s1  }
0x63: {  	[bflag:$0x3] =	sbarrier.arrive $0xFFFF  }
0x64: {  	_ =	shalt  }

// kernel: kernel.9.cloned.1.call-start
scs
__scs_entry_jumppad:
0x0: {  	(pc) =	sbr.rel $0x88, $3  }
0x1: {  	(tag) =	ssettag $0x0;
	lr =	simm.s32 $0x1  }
0x2: {  	[smem:$0x3F9D] =	sst lr;
	_ =	strace $0xD0000000  }
0x3: {  	_ = 	snop  }
0x4: {  	_ = 	snop  }
0x5: {  	_ = 	snop  }
0x6: {  	_ = 	snop  }
0x7: {  	_ = 	snop  }
__scs_overlays_trampoline_lowered:
0x8: {  	[smem:$0x3FAC] =	sst s0  }
0x9: {  	[smem:$0x3FAD] =	sst s1  }
0xa: {  	[smem:$0x3FAE] =	sst s2  }
0xb: {  	[smem:$0x3FAF] =	sst s3  }
0xc: {  	[smem:$0x3FB0] =	sst s4  }
0xd: {  	[smem:$0x3FB1] =	sst s5  }
0xe: {  	[smem:$0x3FB2] =	sst s6  }
0xf: {  	[smem:$0x3FB3] =	sst s7  }
0x10: {  	[smem:$0x3FB4] =	sst s8  }
0x11: {  	[smem:$0x3FB5] =	sst s9;
	s0 =	simm.s32 @!p0 $0x0  }
0x12: {  	s1 =	sld [smem:$0x3F9B];
	s0 =	simm.s32 @p0 $0x1  }
0x13: {  	[smem:$0x3FB6] =	sst s0;
	s0 =	simm.s32 @!p1 $0x0  }
0x14: {  	s2 =	sld [smem:$0x3F9A];
	s0 =	simm.s32 @p1 $0x1  }
0x15: {  	[smem:$0x3FB7] =	sst s0;
	s0 =	simm.s32 @!p2 $0x0  }
0x16: {  	s3 =	sld [smem:$0x3FDB];
	s0 =	simm.s32 @p2 $0x1  }
0x17: {  	s4 =	simm.s32 $0x1BF5;
	[smem:$0x3FB9] =	sst s0  }
0x18: {  	s0 =	sld [smem:$0x3F9C];
	_ =	swait.ge [sflag:s4], $0x0  }
0x19: {  	s7 =	sld [smem:$0x3F9D]  }
0x1a: {  	s8 =	sadd.s32 $0xFFFFE003, lr  }
0x1b: {  	s9 =	sadd.s32 $0xFFFFFEF7, lr;
	s5 =	simm.s32 $0xFFFFFFFF;
	p2 =	slt.u32 s8, $0xFFFFF086  }
0x1c: {  	p1 =	slt.u32 s9, $0xF7A;
	s5 =	simm.s32 @!p2 $0x0  }
0x1d: {  	s5 =	simm.s32 @p1 $0x1;
	p0 =	seq.s32 s7, s2  }
0x1e: {  	s7 =	smul.u32 @!p0 $0xF7A, s2;
	p2 =	seq.s32 @!p0 s5, $0x0  }
0x1f: {  	s9 =	smul.u32 $0xF7A, s1;
	s8 =	simm.s32 @!p0 $0x1BF5;
	p2 =	por !p2, p0  }
0x20: {  	[sflag:s8] =	ssyncset.s32 @!p0 $0xFFFFF086;
	s6 =	sadd.s32 @!p0 s3, s7;
	s7 =	simm.s32 @!p0 $0x108  }
0x21: {  	s3 =	sadd.s32 s3, s9;
	s6 =	sadd.s32 @!p0 $0x88, s6;
	s7 =	simm.s32 @p2 $0x1082  }
0x22: {  	[simem:s7], [sflag:s8] =	dma.local @!p0 [hbm:s6], $0xF7A  }
0x23: {  	s9 =	sor.u32 $0xD0000000, s2;
	s6 =	simm.s32 $0x108;
	_ =	swait.ge @!p0 [sflag:s8], $0x0  }
0x24: {  	s3 =	sadd.s32 $0x88, s3;
	s6 =	simm.s32 @!p1 $0x1082;
	[sflag:s4] =	ssyncset.s32 $0xFFFFF086  }
0x25: {  	[simem:s6], [sflag:s4] =	dma.local [hbm:s3], $0xF7A  }
0x26: {  	[smem:$0x3F9D] =	sst s1;
	(tag) =	ssettag s2;
	_ =	strace s9  }
0x27: {  	s1 =	sld [smem:$0x3FAD]  }
0x28: {  	s2 =	sld [smem:$0x3FAE]  }
0x29: {  	s4 =	sld [smem:$0x3FB0]  }
0x2a: {  	p0 =	seq.s32 s5, $0x0;
	s5 =	sld [smem:$0x3FB1]  }
0x2b: {  	s6 =	sld [smem:$0x3FB2]  }
0x2c: {  	s7 =	sld [smem:$0x3FB3]  }
0x2d: {  	s3 =	simm.s32 $0x108;
	s8 =	sld [smem:$0x3FB4]  }
0x2e: {  	s3 =	simm.s32 @!p0 $0x1082;
	s9 =	sld [smem:$0x3FB5]  }
0x2f: {  	lr =	sadd.s32 s0, s3;
	s0 =	sld [smem:$0x3FAC]  }
0x30: {  	s3 =	sld [smem:$0x3FAF]  }
0x31: {  	[smem:$0x3FB8] =	sst s10  }
0x32: {  	s10 =	sld [smem:$0x3FB6];
	_ =	sdelay $0x3  }
0x33: {  	p0 =	seq.s32 s10, $0x1;
	s10 =	sld [smem:$0x3FB8];
	_ =	sdelay $0x3  }
0x34: {  	[smem:$0x3FB8] =	sst s10  }
0x35: {  	s10 =	sld [smem:$0x3FB7];
	_ =	sdelay $0x3  }
0x36: {  	p1 =	seq.s32 s10, $0x1;
	s10 =	sld [smem:$0x3FB8];
	_ =	sdelay $0x3  }
0x37: {  	[smem:$0x3FB8] =	sst s10  }
0x38: {  	s10 =	sld [smem:$0x3FB9]  }
0x39: {  	_ = 	snop;
	(pc) =	sbr.ind lr, $3  }
0x3a: {  	_ = 	snop  }
0x3b: {  	_ = 	snop  }
0x3c: {  	p2 =	seq.s32 s10, $0x1;
	s10 =	sld [smem:$0x3FB8]  }
0x3d: {  	_ =	shalt  }
0x3e: {  	_ =	shalt  }
0x3f: {  	_ =	shalt  }
0x40: {  	_ =	shalt  }
0x41: {  	_ =	shalt  }
0x42: {  	_ =	shalt  }
0x43: {  	_ =	shalt  }
0x44: {  	_ =	shalt  }
0x45: {  	_ =	shalt  }
0x46: {  	_ =	shalt  }
0x47: {  	_ =	shalt  }
0x48: {  	_ =	shalt  }
0x49: {  	_ =	shalt  }
0x4a: {  	_ =	shalt  }
0x4b: {  	_ =	shalt  }
0x4c: {  	_ =	shalt  }
0x4d: {  	_ =	shalt  }
0x4e: {  	_ =	shalt  }
0x4f: {  	_ =	shalt  }
0x50: {  	_ =	shalt  }
0x51: {  	_ =	shalt  }
0x52: {  	_ =	shalt  }
0x53: {  	_ =	shalt  }
0x54: {  	_ =	shalt  }
0x55: {  	_ =	shalt  }
0x56: {  	_ =	shalt  }
0x57: {  	_ =	shalt  }
0x58: {  	_ =	shalt  }
0x59: {  	_ =	shalt  }
0x5a: {  	_ =	shalt  }
0x5b: {  	_ =	shalt  }
0x5c: {  	_ =	shalt  }
0x5d: {  	_ =	shalt  }
0x5e: {  	_ =	shalt  }
0x5f: {  	_ =	shalt  }
0x60: {  	_ =	shalt  }
0x61: {  	_ =	shalt  }
0x62: {  	_ =	shalt  }
0x63: {  	_ =	shalt  }
0x64: {  	_ =	shalt  }
0x65: {  	_ =	shalt  }
0x66: {  	_ =	shalt  }
0x67: {  	_ =	shalt  }
0x68: {  	_ =	shalt  }
0x69: {  	_ =	shalt  }
0x6a: {  	_ =	shalt  }
0x6b: {  	_ =	shalt  }
0x6c: {  	_ =	shalt  }
0x6d: {  	_ =	shalt  }
0x6e: {  	_ =	shalt  }
0x6f: {  	_ =	shalt  }
0x70: {  	_ =	shalt  }
0x71: {  	_ =	shalt  }
0x72: {  	_ =	shalt  }
0x73: {  	_ =	shalt  }
0x74: {  	_ =	shalt  }
0x75: {  	_ =	shalt  }
0x76: {  	_ =	shalt  }
0x77: {  	_ =	shalt  }
0x78: {  	_ =	shalt  }
0x79: {  	_ =	shalt  }
0x7a: {  	_ =	shalt  }
0x7b: {  	_ =	shalt  }
0x7c: {  	_ =	shalt  }
0x7d: {  	_ =	shalt  }
0x7e: {  	_ =	shalt  }
0x7f: {  	_ =	shalt  }
0x80: {  	_ =	shalt  }
0x81: {  	_ =	shalt  }
0x82: {  	_ =	shalt  }
0x83: {  	_ =	shalt  }
0x84: {  	_ =	shalt  }
0x85: {  	_ =	shalt  }
0x86: {  	_ =	shalt  }
0x87: {  	_ =	shalt  }
.Lfunc_end0:
.L_simem_size_0:
called_computation.1_lowered:
.L_overlay_start_0:
0x88: {  	s2 =	sld [smem:$0x3FD9]  }
0x89: {  	s3 =	sld [smem:$0x3FFE];
	_ =	sdelay $0x1  }
0x8a: {  	s1 =	srdreg.scid  }
0x8b: {  	s0 =	sand.u32 $0x1, s1  }
0x8c: {  	s17 =	sshll.u32 s0, $0xA;
	s2 =	sadd.s32 s3, s2  }
0x8d: {  	s2 =	sadd.s32 s2, s17  }
0x8e: {  	[smem:$0x3FC4] =	sst s2  }
0x8f: {  	_ = 	snop  }
0x90: {  	s2 =	sld [smem:$0x3FD0];
	(tm) =	ssettm $0x1  }
0x91: {  	s18 =	sld [smem:$0x3FFB];
	_ =	sdelay $0x3  }
0x92: {  	_ =	strace s18  }
0x93: {  	s3 =	sld [smem:$0x3FFC];
	_ =	sdelay $0x3  }
0x94: {  	_ =	strace s3  }
0x95: {  	s3 =	sld [smem:$0x3FFD];
	_ =	sdelay $0x3  }
0x96: {  	_ =	strace s3  }
0x97: {  	_ =	strace $0x8FFFFFFF  }
0x98: {  	s19 =	sld [smem:$0x3FDB];
	_ =	sdelay $0x1  }
0x99: {  	s4 =	simm.s32 $_scs_section_size  }
0x9a: {  	s5 =	simm.s32 $_size__tile_overlayer_lowered;
	s6 =	simm.s32 $_tile_overlayer_lowered  }
0x9b: {  	s22 =	simm.s32 $0x1BFF;
	s21 =	sshll.u32 s6, $0x1;
	s3 =	sadd.s32 s4, s19  }
0x9c: {  	s7 =	simm.s32 $0x0;
	s20 =	sshll.u32 s5, $0x1;
	s5 =	sadd.s32 s21, s3  }
0x9d: {  	[timem:s7], [sflag:s22] =	dma.local [hbm:s5], s20  }
0x9e: {  	_ =	swait.ge [sflag:s22], s20  }
0x9f: {  	s4 =	ssub.s32 $0x0, s20;
	[sflag:s22] =	ssyncset.done $0x0  }
0xa0: {  	[sflag:s22] =	ssyncadd.s32 s4;
	_ =	sdelay $0x1  }
0xa1: {  	s23 =	simm.s32 $0x1B8B  }
0xa2: {  	_ =	swait.ge [sflag:s23], $0x1  }
0xa3: {  	[sflag:s23] =	ssyncset.done $0x0  }
0xa4: {  	s25 =	simm.s32 $0x1B8E;
	s24 =	sld [smem:$0x3FFE];
	[sflag:s23] =	ssyncadd.s32 $0xFFFFFFFF  }
0xa5: {  	s26 =	simm.s32 $execute0_lowered;
	[smem:$0x3FD2] =	sst s25  }
0xa6: {  	s5 =	sshll.u32 s26, $0x1;
	_ =	strace $0x80000049;
	[dreg:$0x1] =	wrdreg $0xFFFFFFFF  }
0xa7: {  	s28 =	simm.s32 $_size_execute0_lowered;
	s3 =	sadd.s32 s3, s5;
	[dreg:$0x0] =	wrdreg $0x0  }
0xa8: {  	s5 =	sshll.u32 s28, $0x1;
	[dreg:$0x2] =	wrdreg s3  }
0xa9: {  	[dreg:$0x3] =	wrdreg s5  }
0xaa: {  	[dreg:$0x4] =	wrdreg $0xC0  }
0xab: {  	_ =	task [dreg:s7], $0x5FFFF  }
0xac: {  	[dreg:$0x1] =	wrdreg $0xFFFFFFFF  }
0xad: {  	[dreg:$0x0] =	wrdreg $0x60  }
0xae: {  	[dreg:$0x2] =	wrdreg s24  }
0xaf: {  	[dreg:$0x3] =	wrdreg s2  }
0xb0: {  	[dreg:$0x4] =	wrdreg $0x90000  }
0xb1: {  	[dreg:$0x5] =	wrdreg $0x9  }
0xb2: {  	_ =	task.clear_ibuf [dreg:s7], $0x6FFFF;
	_ =	strace $0x90000049  }
0xb3: {  	s29 =	simm.s32 $0x9;
	_ =	strace $0x8000004B  }
0xb4: {  	_ =	swait.ge [sflag:s29], $0x1  }
0xb5: {  	[sflag:s29] =	ssyncadd.s32 $0xFFFFFFFF  }
0xb6: {  	_ =	strace $0x9000004B  }
0xb7: {  	_ =	sfence  }
0xb8: {  	s30 =	sld [smem:$0x0];
	_ =	sdelay $0x2  }
0xb9: {  	s31 =	sshll.u32 s1, $0xD;
	s1 =	sshrl.u32 s1, $0x2  }
0xba: {  	s3 =	sand.u32 $0x4000, s31;
	s1 =	sadd.s32 s1, s30  }
0xbb: {  	s0 =	sor.u32 s3, s0;
	s1 =	sshll.u32 s1, $0x11  }
0xbc: {  	s0 =	sor.u32 s1, s0  }
0xbd: {  	s0 =	sadd.s32 $0x8F2B, s0  }
0xbe: {  	[sflag:s0] =	ssyncadd.remote.s32 $0x1  }
0xbf: {  	_ =	sfence.sel $0xFFFF  }
0xc0: {  	[dreg:$0x0] =	wrdreg $0xFFFFFFFF;
	(pc) =	sbr.abs _section_cstart, $3  }
0xc1: {  	[dreg:$0x1] =	wrdreg $0xFFFFFFFF  }
0xc2: {  	_ =	task.clear_ibuf [dreg:s7], $0x2FFFF;
	_ =	strace $0x9FFFFFFF  }
0xc3: {  	(tm) =	ssettm $0x7FFFFFFF  }
tec
execute0_lowered:
.L_overlay_start_1:
0x0: {  	(tag) =	ssettag $0x1  }
0x1: {  	s7 =	rddreg [dreg:$0x0]  }
0x2: {  	s8 =	rddreg [dreg:$0x1]  }
0x3: {  	s0 =	srdreg.scid;
	s2 =	rddreg [dreg:$0x2];
	s3 =	simm.s32 $0x0  }
0x4: {  	s19 =	simm.s32 $0x5000;
	s6 =	sand.u32 $0x1, s0;
	s0 =	stileid.u32  }
0x5: {  	s20 =	simm.s32 $0x1;
	s21 =	simm.s32 $0x0;
	s10 =	smul.u32 $0x2800, s0  }
0x6: {  	[smem:$0x7FF] =	sst s3;
	s4 =	sadd.s32 $0xC400, s7;
	s11 =	smul.u32 $0x28000, s6  }
0x7: {  	s5 =	sadd.s32 $0x1800, s7;
	s1 =	sshll.u32 s6, $0x4;
	s12 =	smul.u32 $0x50000, s0  }
0x8: {  	s6 =	ssub.s32 $0x2, s6;
	s31 =	sshll.u32 s0, $0x6;
	s1 =	sor.u32 s0, s1  }
0x9: {  	s30 =	sshrl.u32 s6, $0x1;
	s9 =	smul.u32 $0x500, s1;
	s1 =	rddreg [dreg:$0x3]  }
0xa: {  	_ =	strace $0x8000004A;
	s10 =	sadd.s32 s10, s11;
	s12 =	sshrl.u32 s12, $0x2  }
0xb: {  	s11 =	ssub.s32 s6, s30;
	s10 =	sadd.s32 s10, s7;
	s14 =	sadd.s32 s12, s2  }
0xc: {  	s12 =	sor.u32 $0x1C02, s31;
	s13 =	sadd.s32 s9, s7;
	s7 =	sadd.s32 s8, s9  }
0xd: {  	s15 =	sadd.s32 $0x4000, s14;
	s16 =	sadd.s32 $0x8000, s14;
	s17 =	sadd.s32 $0xC000, s14  }
0xe: {  	s18 =	sadd.s32 $0x10000, s14;
	s8 =	sadd.s32 $0x34400, s10;
	s9 =	smax.u32 s11, $0x1  }
0xf: {  	s10 =	simm.s32 $0x2;
	s11 =	simm.s32 $0x2800;
	s6 =	sadd.s32 $0x2400, s13  }
0x10: {  	s13 =	sshrl.u32 s14, $0x3;
	s14 =	sshrl.u32 s15, $0x3;
	s15 =	sshrl.u32 s16, $0x3  }
0x11: {  	s16 =	sshrl.u32 s17, $0x3;
	s17 =	sshrl.u32 s18, $0x3;
	s18 =	simm.s32 $0x7D  }
.LBB2_1:
0x12: {  	[tilespmem:s3], [sflag:$0x2] =	stream.linear.gather [hbm4b:s6+s3], $0x2800, $0x38;
	[tilespmem:$0x1D000] =	vst v63  }
0x13: {  	_ =	swait.ge [sflag:s10], $0x2800  }
0x14: {  	[sflag:s10] =	ssyncset.done $0x0  }
0x15: {  	[sflag:s10] =	ssyncadd.s32 $0xFFFFD800  }
0x16: {  	[tilespmem:s11], [sflag:$0x2] =	stream.linear.gather [hbm4b:s7+s3], $0x2800, $0x38;
	[tilespmem:$0x1D000] =	vst v63  }
0x17: {  	_ =	swait.ge [sflag:s10], $0x2800  }
0x18: {  	[sflag:s10] =	ssyncset.done $0x0  }
0x19: {  	[sflag:s10] =	ssyncadd.s32 $0xFFFFD800  }
0x1a: {  	[spmem:s13], [sflag:s12] =	dma.local [hbm:s5], $0x800  }
0x1b: {  	_ =	swait.ge [sflag:s10], $0x800  }
0x1c: {  	[sflag:s10] =	ssyncset.done $0x0  }
0x1d: {  	[sflag:s10] =	ssyncadd.s32 $0xFFFFF800  }
0x1e: {  	[spmem:s14], [sflag:s12] =	dma.local [hbm:s5], $0x800  }
0x1f: {  	_ =	swait.ge [sflag:s10], $0x800  }
0x20: {  	[sflag:s10] =	ssyncset.done $0x0  }
0x21: {  	[sflag:s10] =	ssyncadd.s32 $0xFFFFF800  }
0x22: {  	[spmem:s15], [sflag:s12] =	dma.local [hbm:s5], $0x800  }
0x23: {  	_ =	swait.ge [sflag:s10], $0x800  }
0x24: {  	[sflag:s10] =	ssyncset.done $0x0  }
0x25: {  	[sflag:s10] =	ssyncadd.s32 $0xFFFFF800  }
0x26: {  	[spmem:s16], [sflag:s12] =	dma.local [hbm:s5], $0x800  }
0x27: {  	_ =	swait.ge [sflag:s10], $0x800  }
0x28: {  	[sflag:s10] =	ssyncset.done $0x0  }
0x29: {  	[sflag:s10] =	ssyncadd.s32 $0xFFFFF800  }
0x2a: {  	[spmem:s17], [sflag:s12] =	dma.local [hbm:s5], $0x800  }
0x2b: {  	_ =	swait.ge [sflag:s10], $0x800  }
0x2c: {  	[sflag:s10] =	ssyncset.done $0x0  }
0x2d: {  	[sflag:s10] =	ssyncadd.s32 $0xFFFFF800  }
0x2e: {  	s22 =	simm.s32 $0x0;
	[bflag:$0x0] =	sbarrier.arrive $0xFFFF  }
0x2f: {  	[tilespmem:s19], [sflag:$0x1] =	stream.indirect.gather [hbm4b:s4+s18], $0x80, s22, s18, $0xb8;
	[tilespmem:$0x1D000] =	vst v63  }
0x30: {  	_ =	swait.ge [sflag:s20], $0x3E80  }
0x31: {  	[sflag:s20] =	ssyncset.done $0x0  }
0x32: {  	s31 =	simm.s32 $0x2800;
	[sflag:s20] =	ssyncadd.s32 $0xFFFFC180  }
0x33: {  	[spmem:s2] =	stream.indirect.scatter.add.f32 [tilespmem:s19], [sflag:$0x2], $0x80, s31, s18, $0xb8;
	[tilespmem:$0x1D000] =	vst v63  }
0x34: {  	_ =	swait.ge [sflag:s10], $0x3E80  }
0x35: {  	s23 =	simm.s32 $0x400;
	s22 =	simm.s32 $0x200;
	[sflag:s10] =	ssyncset.done $0x0  }
.LBB2_2:
0x36: {  	s24 =	sshra.s32 s22, $0x2  }
0x37: {  	[sflag:s10] =	ssyncadd.s32 $0xFFFFC180;
	s22 =	smov.u32 s23;
	s25 =	sadd.s32 $0x200, s23  }
0x38: {  	[tilespmem:s19], [sflag:$0x1] =	stream.indirect.gather [hbm4b:s4+s18], $0x80, s24, s18, $0xb8;
	[tilespmem:$0x1D000] =	vst v63  }
0x39: {  	p0 =	sne.s32 s23, $0x9E00;
	_ =	swait.ge [sflag:s20], $0x3E80  }
.Ltmp0:
0x3a: {  	[sflag:s20] =	ssyncset.done $0x0;
	(pc) =	sbr.rel @p0 .LBB2_2-.Ltmp0, $4  }
0x3b: {  	s23 =	sadd.s32 $0x2800, s24;
	[sflag:s20] =	ssyncadd.s32 $0xFFFFC180  }
0x3c: {  	[spmem:s2] =	stream.indirect.scatter.add.f32 [tilespmem:s19], [sflag:$0x2], $0x80, s23, s18, $0xb8;
	[tilespmem:$0x1D000] =	vst v63  }
0x3d: {  	_ =	swait.ge [sflag:s10], $0x3E80  }
0x3e: {  	s23 =	smov.u32 s25;
	[sflag:s10] =	ssyncset.done $0x0  }
0x3f: {  	s22 =	sshra.s32 s22, $0x2;
	[sflag:s10] =	ssyncadd.s32 $0xFFFFC180  }
0x40: {  	[tilespmem:s19], [sflag:$0x1] =	stream.indirect.gather [hbm4b:s4+s18], $0x80, s22, s18, $0xb8;
	[tilespmem:$0x1D000] =	vst v63  }
0x41: {  	_ =	swait.ge [sflag:s20], $0x3E80  }
0x42: {  	[sflag:s20] =	ssyncset.done $0x0  }
0x43: {  	s22 =	sadd.s32 $0x2800, s22;
	[sflag:s20] =	ssyncadd.s32 $0xFFFFC180  }
0x44: {  	[spmem:s2] =	stream.indirect.scatter.add.f32 [tilespmem:s19], [sflag:$0x2], $0x80, s22, s18, $0xb8;
	[tilespmem:$0x1D000] =	vst v63  }
0x45: {  	_ =	swait.ge [sflag:s10], $0x3E80  }
0x46: {  	s21 =	sadd.s32 $0x1, s21;
	[sflag:s10] =	ssyncset.done $0x0  }
0x47: {  	p0 =	sne.s32 s21, s9;
	[sflag:s10] =	ssyncadd.s32 $0xFFFFC180  }
.Ltmp1:
0x48: {  	[bflag:$0x0] =	sbarrier.arrive $0xFFFF;
	(pc) =	sbr.rel @p0 .LBB2_1-.Ltmp1, $4  }
0x49: {  	[hbm:s8], [sflag:s12] =	dma.local [spmem:s13], $0x2800  }
0x4a: {  	_ =	swait.ge [sflag:s10], $0x2800  }
0x4b: {  	[sflag:s10] =	ssyncset.done $0x0  }
0x4c: {  	[sflag:s10] =	ssyncadd.s32 $0xFFFFD800  }
0x4d: {  	_ =	sfence.sel $0x180000  }
0x4e: {  	[bflag:$0x0] =	sbarrier.arrive $0xFFFF  }
0x4f: {  	p0 =	sne.s32 s0, $0x0;
	_ =	strace $0x9000004A  }
0x50: {  	s0 =	sadd.s32 @!p0 $0x100000, s1;
	[bflag:$0x2] =	sbarrier.arrive $0xFFFF  }
0x51: {  	[sflag:s0] =	ssyncadd.tile.s32 @!p0 $0x1;
	_ =	shalt  }
.Lfunc_end2:
_tile_overlayer_lowered:
.L_overlay_start_2:
0x52: {  	(tag) =	ssettag $0x2  }
0x53: {  	s0 =	rddreg [dreg:$0x0];
	s2 =	stileid.u32  }
0x54: {  	s1 =	rddreg [dreg:$0x1];
	p0 =	sne.s32 s2, $0x0  }
0x55: {  	s3 =	rddreg [dreg:$0x2];
	[bflag:$0x3] =	sbarrier.arrive $0xFFFF;
	s2 =	simm.s32 @!p0 $0x1C02  }
0x56: {  	[timem:s3], [sflag:s2] =	dma.local @!p0 [hbm:s0], s1  }
0x57: {  	s0 =	simm.s32 @!p0 $0x2  }
0x58: {  	_ =	swait.ge @!p0 [sflag:s0], s1  }
0x59: {  	s1 =	ssub.s32 @!p0 $0x0, s1;
	[sflag:s0] =	ssyncset.done @!p0 $0x0  }
0x5a: {  	[sflag:s0] =	ssyncadd.s32 @!p0 s1  }
0x5b: {  	[bflag:$0x3] =	sbarrier.arrive $0xFFFF  }
0x5c: {  	_ =	shalt  }

</sc_bundles>
